<compile_context>
chip_gen: v7x
topology: tpu7x:2x2x1
jax: 0.10.2.dev20260603
libtpu: 0.0.44.dev20260713+nightly
codegen_flags: <defaults>
</compile_context>

<pallas_src>
import functools

import jax
import jax.numpy as jnp
from jax import lax
from jax.experimental import pallas as pl
from jax.experimental.pallas import tpu as pltpu
from jax.experimental.pallas import tpu_sc as plsc

B = 32
IN_N = 2048
OUT_N = 2048
M = 8
POSE = 64
NB = 128
CB = 128
TEMP = 0.75
NBKT = OUT_N // NB
KBKT = IN_N // CB
SCALE = POSE ** -0.5
ROW = CB * POSE
BPG = 2


def _sel_mats():
    row = lax.broadcasted_iota(jnp.int32, (POSE, M * POSE), 0)
    col = lax.broadcasted_iota(jnp.int32, (POSE, M * POSE), 1)
    mc = col // POSE
    rc = col % POSE
    ic = rc // M
    jc = rc % M
    one = jnp.float32(1.0)
    zero = jnp.float32(0.0)
    S = jnp.where(row == ic * M + mc, one, zero)
    T = jnp.where(row == mc * M + jc, one, zero)
    return S, T


def _mac_slices(a, b):
    prod = a * b
    s = prod[:, :4 * POSE] + prod[:, 4 * POSE:]
    s = s[:, :2 * POSE] + s[:, 2 * POSE:]
    return s[:, :POSE] + s[:, POSE:]


def _votes_route_body(cp_ref, wc_ref, wn_ref, k_ref, fidx_ref, val_ref,
                      vmean_ref, bt_ref, bq_ref):
    b = pl.program_id(0)
    S, T = _sel_mats()

    @pl.when(b == 0)
    def _init():
        bt_ref[...] = jnp.dot(wc_ref[...], T,
                              preferred_element_type=jnp.float32)
        wnm = jnp.sum(wn_ref[...].reshape(NBKT, NB, POSE), axis=1) * (1.0 / NB)
        bq_ref[...] = jnp.dot(wnm, T, preferred_element_type=jnp.float32)

    cp2 = cp_ref[0]
    A = jnp.dot(cp2, S, preferred_element_type=jnp.float32)
    votes2 = _mac_slices(A, bt_ref[...])
    k_ref[0] = votes2
    sk = jnp.sum(votes2.reshape(KBKT, CB, POSE), axis=1) * (1.0 / CB)
    vmr = jnp.sum(votes2, axis=0, keepdims=True) * (1.0 / IN_N)
    vmean_ref[0] = vmr
    sq2 = _mac_slices(jnp.dot(vmr, S, preferred_element_type=jnp.float32),
                      bq_ref[...])
    R = lax.dot_general(sq2, sk, (((1,), (1,)), ((), ())),
                        preferred_element_type=jnp.float32) * SCALE
    x = R / TEMP
    e = jnp.exp(x - jnp.max(x, axis=-1, keepdims=True))
    probs = e / jnp.sum(e, axis=-1, keepdims=True)
    pmax = jnp.max(probs, axis=-1, keepdims=True)
    iota = lax.broadcasted_iota(jnp.int32, (NBKT, KBKT), 1)
    idx = jnp.min(jnp.where(probs == pmax, iota, KBKT), axis=-1)
    fidx_ref[0, 0] = b * KBKT + idx
    val_ref[0, 0] = pmax[:, 0]


def _attend_body(vmean_ref, kloc_ref, krt_ref, wn_ref, val_ref, out_ref,
                 bw_ref):
    b = pl.program_id(0)
    S, T = _sel_mats()

    @pl.when(b == 0)
    def _init():
        bw_ref[...] = jnp.dot(wn_ref[...], T,
                              preferred_element_type=jnp.float32)

    bw = bw_ref[...]
    for bb in range(BPG):
        q_all = _mac_slices(jnp.dot(vmean_ref[bb], S,
                                    preferred_element_type=jnp.float32), bw)
        outs = []
        for u in range(NBKT):
            keys = jnp.concatenate(
                [krt_ref[bb, u * NB:(u + 1) * NB] * val_ref[b * BPG + bb, 0, u],
                 kloc_ref[bb, u * NB:(u + 1) * NB]], axis=0)
            q2 = q_all[u * NB:(u + 1) * NB]
            dots = lax.dot_general(q2, keys, (((1,), (1,)), ((), ())),
                                   preferred_element_type=jnp.float32) * SCALE
            dmax = jnp.max(dots, axis=-1, keepdims=True)
            p = jnp.exp(dots - dmax)
            attn = p / jnp.sum(p, axis=-1, keepdims=True)
            outs.append(lax.dot_general(attn, keys, (((1,), (0,)), ((), ())),
                                        preferred_element_type=jnp.float32))
        out_all = jnp.concatenate(outs, axis=0)
        np_all = _mac_slices(jnp.dot(out_all, S,
                                     preferred_element_type=jnp.float32), bw)
        out_ref[bb] = np_all


def _sc_gather_body(table_hbm, idx_hbm, out_hbm, idx_v, rows_v, sem):
    wid = lax.axis_index("s") * 2 + lax.axis_index("c")
    base = wid * 16
    for c in range(2):
        pltpu.sync_copy(idx_hbm.at[pl.ds(base + c * 8, 8)], idx_v)
        pltpu.async_copy(table_hbm.at[idx_v], rows_v, sem).wait()
        pltpu.sync_copy(rows_v, out_hbm.at[pl.ds(base + c * 8, 8)])


@jax.jit
def kernel(current_pose, w_current, w_next):
    wc2 = w_current.reshape(IN_N, M * M)
    wn2 = w_next.reshape(OUT_N, M * M)

    k, fidx, val, vmean = pl.pallas_call(
        _votes_route_body,
        grid=(B,),
        in_specs=[
            pl.BlockSpec((1, IN_N, POSE), lambda b: (b, 0, 0)),
            pl.BlockSpec((IN_N, M * M), lambda b: (0, 0)),
            pl.BlockSpec((OUT_N, M * M), lambda b: (0, 0)),
        ],
        out_specs=[
            pl.BlockSpec((1, IN_N, POSE), lambda b: (b, 0, 0)),
            pl.BlockSpec((1, 1, NBKT), lambda b: (b, 0, 0)),
            pl.BlockSpec((1, 1, NBKT), lambda b: (b, 0, 0)),
            pl.BlockSpec((1, 1, POSE), lambda b: (b, 0, 0)),
        ],
        out_shape=[
            jax.ShapeDtypeStruct((B, IN_N, POSE), jnp.float32),
            jax.ShapeDtypeStruct((B, 1, NBKT), jnp.int32),
            jax.ShapeDtypeStruct((B, 1, NBKT), jnp.float32),
            jax.ShapeDtypeStruct((B, 1, POSE), jnp.float32),
        ],
        scratch_shapes=[
            pltpu.VMEM((IN_N, M * POSE), jnp.float32),
            pltpu.VMEM((NBKT, M * POSE), jnp.float32),
        ],
    )(current_pose, wc2, wn2)

    table = k.reshape(B * KBKT, ROW)
    fidx_flat = fidx.reshape(B * NBKT)

    sc_gather = functools.partial(
        pl.kernel,
        out_type=jax.ShapeDtypeStruct((B * NBKT, ROW), jnp.float32),
        mesh=plsc.VectorSubcoreMesh(core_axis_name="c", subcore_axis_name="s"),
        scratch_types=[
            pltpu.VMEM((8,), jnp.int32),
            pltpu.VMEM((8, ROW), jnp.float32),
            pltpu.SemaphoreType.DMA,
        ],
    )(_sc_gather_body)
    kr = sc_gather(table, fidx_flat).reshape(B, OUT_N, POSE)

    out = pl.pallas_call(
        _attend_body,
        grid=(B // BPG,),
        in_specs=[
            pl.BlockSpec((BPG, 1, POSE), lambda b: (b, 0, 0)),
            pl.BlockSpec((BPG, OUT_N, POSE), lambda b: (b, 0, 0)),
            pl.BlockSpec((BPG, OUT_N, POSE), lambda b: (b, 0, 0)),
            pl.BlockSpec((OUT_N, M * M), lambda b: (0, 0)),
            pl.BlockSpec(memory_space=pltpu.SMEM),
        ],
        out_specs=pl.BlockSpec((BPG, OUT_N, POSE), lambda b: (b, 0, 0)),
        out_shape=jax.ShapeDtypeStruct((B, OUT_N, POSE), jnp.float32),
        scratch_shapes=[
            pltpu.VMEM((OUT_N, M * POSE), jnp.float32),
        ],
    )(vmean, k, kr, wn2, val)

    return out

# --- scband reference (transcript-rebuilt; emitter-appended) ---
"""Pipeline reference for scband-bilinear-sparse-routing-91036126806673 (READ-ONLY COPY).

The authoritative reference and input builder live on the scoring server;
editing this copy changes nothing except your own understanding.
"""

import jax, jax.numpy as jnp
import numpy as np

B = 32
IN_N = 2048
OUT_N = 2048
M = 8
POSE = 64
NB = 128
CB = 128
TEMP = 0.75


def _forward(current_pose, w_current, w_next):
    # layer_type='FC', matrix_pose=True, next_pose=None branch (first routing iteration)
    b = current_pose.shape[0]
    t = IN_N  # kernel_size^2 * in_n_capsules with kernel_size=1
    wc = w_current.reshape(t, M, M)
    cp = current_pose.reshape(b, t, M, M)
    # bilinear pose transform of lower capsules (keys/values)
    votes = jnp.matmul(cp, wc[None, :, :, :])  # (b, t, M, M)
    k = votes.reshape(b, t, POSE)
    v = k
    # uniform initial routing to form higher-capsule queries
    dots0 = jnp.full((b, OUT_N, t), 1.0 / t, dtype=current_pose.dtype)
    np0 = jnp.einsum('bnt,btij->bnij', dots0, votes)
    np0 = jnp.matmul(np0, w_next[None, :, :, :])
    q = np0.reshape(b, OUT_N, POSE)
    buckets = OUT_N // NB
    kv_buckets = t // CB
    bq = q.reshape(b, buckets, NB, POSE)
    bk = k.reshape(b, kv_buckets, CB, POSE)
    bv = v.reshape(b, kv_buckets, CB, POSE)
    # AttentionSortNet (non_permutative=True, n_sortcut=0, topk=1)
    sq = bq.mean(axis=2)
    sk = bk.mean(axis=2)
    R = jnp.einsum('bie,bje->bij', sq, sk) * (POSE ** -0.5)
    # differentiable_topk with k=1
    probs = jax.nn.softmax(R / TEMP, axis=-1)
    top_val = jnp.max(probs, axis=-1)
    top_idx = jnp.argmax(probs, axis=-1)
    Rtop = jax.nn.one_hot(top_idx, kv_buckets, dtype=probs.dtype) * top_val[..., None]
    # reorder_buckets: gather the routed key/value bucket for each query bucket
    b_k_r = jnp.einsum('buv,bvtd->butd', Rtop, bk)
    b_v_r = jnp.einsum('buv,bvtd->butd', Rtop, bv)
    # attend over sorted bucket + local bucket
    b_k_cat = jnp.concatenate([b_k_r, bk], axis=2)
    b_v_cat = jnp.concatenate([b_v_r, bv], axis=2)
    dots = jnp.einsum('buie,buje->buij', bq, b_k_cat) * (POSE ** -0.5)
    attn = jax.nn.softmax(dots, axis=-1)
    out = jnp.einsum('buij,buje->buie', attn, b_v_cat)
    # project aggregated poses through next-capsule bilinear weights
    out = out.reshape(b, OUT_N, M, M)
    next_pose = jnp.matmul(out, w_next[None, :, :, :])
    return next_pose.reshape(b, OUT_N, POSE)


def setup_inputs(seed: int = 0):
    key = jax.random.key(seed)
    k1, k2, k3 = jax.random.split(key, 3)
    return {
        'current_pose': jax.random.normal(k1, (B, IN_N, POSE), dtype=jnp.float32),
        'w_current': 0.02 * jax.random.normal(k2, (1, 1, IN_N, M, M), dtype=jnp.float32),
        'w_next': 0.02 * jax.random.normal(k3, (OUT_N, M, M), dtype=jnp.float32),
    }


def reference(current_pose, w_current, w_next):
    return _forward(current_pose, w_current, w_next)

if __name__ == "__main__":
    import jax
    _d = setup_inputs()
    print(jax.jit(kernel)(*tuple(_d.values())))

</pallas_src>

<mosaic_0001>
#map = affine_map<(d0, d1) -> (0, 0)>
#map1 = affine_map<(d0, d1) -> (0)>
module attributes {stable_mosaic.version = 14 : i64} {
  func.func @_sc_gather_body(%arg0: i32, %arg1: i32, %arg2: memref<512x8192xf32, #tpu.memory_space<hbm>>, %arg3: memref<512xi32, #tpu.memory_space<hbm>>, %arg4: memref<512x8192xf32, #tpu.memory_space<hbm>>, %arg5: memref<8xi32, #tpu.memory_space<vmem>>, %arg6: memref<8x8192xf32, #tpu.memory_space<vmem>>, %arg7: memref<!tpu.dma_semaphore, #tpu.memory_space<semaphore_mem>>) attributes {dimension_semantics = [#tpu.dimension_semantics<core_parallel>, #tpu.dimension_semantics<subcore_parallel>], iteration_bounds = array<i64: 2, 16>, scalar_prefetch = 0 : i64, scratch_operands = 3 : i64, tpu.core_type = #tpu.core_type<sc_vector_subcore>, window_params = [{transform_indices = #map}, {transform_indices = #map1}, {transform_indices = #map}]} {
    %mul3A = arith.constant 2 : i32
    %mul3A_0 = arith.muli %arg1, %mul3A : i32
    %add3A = arith.addi %mul3A_0, %arg0 : i32
    %mul3A_1 = arith.constant 16 : i32
    %mul3A_2 = arith.muli %add3A, %mul3A_1 : i32
    %add3A_3 = arith.constant 0 : i32
    %add3A_4 = arith.addi %mul3A_2, %add3A_3 : i32
    "tpu.region"() ({
      %run_scoped3A = tpu.sem_alloc : memref<!tpu.dma_semaphore, #tpu.memory_space<semaphore_mem>>
      %dma_start3A_21 = tpu.memref_slice %arg3[%add3A_4] : memref<512xi32, #tpu.memory_space<hbm>> -> memref<8xi32, #tpu.memory_space<hbm>>
      %dma_start3A_22 = tpu.memref_slice %arg3[%add3A_4] : memref<512xi32, #tpu.memory_space<hbm>> -> memref<8xi32, #tpu.memory_space<hbm>>
      tpu.enqueue_dma source(%dma_start3A_22 : memref<8xi32, #tpu.memory_space<hbm>>) target(%arg5 : memref<8xi32, #tpu.memory_space<vmem>>) target_semaphore(%run_scoped3A : memref<!tpu.dma_semaphore, #tpu.memory_space<semaphore_mem>>)
      %dma_wait3A_23 = tpu.memref_slice %arg3[%add3A_4] : memref<512xi32, #tpu.memory_space<hbm>> -> memref<8xi32, #tpu.memory_space<hbm>>
      %dma_wait3A_24 = tpu.memref_slice %arg3[%add3A_4] : memref<512xi32, #tpu.memory_space<hbm>> -> memref<8xi32, #tpu.memory_space<hbm>>
      tpu.wait_dma2 semaphore(%run_scoped3A : memref<!tpu.dma_semaphore, #tpu.memory_space<semaphore_mem>>) src(%dma_wait3A_24 : memref<8xi32, #tpu.memory_space<hbm>>) dst(%arg5 : memref<8xi32, #tpu.memory_space<vmem>>)
      tpu.yield
    }) : () -> ()
    %dma_start3A = arith.constant 0 : i32
    %dma_start3A_5 = arith.constant 0 : i32
    %dma_start3A_6 = tpu.memref_slice %arg2[%dma_start3A, %dma_start3A_5] : memref<512x8192xf32, #tpu.memory_space<hbm>> -> memref<512x8192xf32, #tpu.memory_space<hbm>>
    tpu.enqueue_indirect_dma source(%dma_start3A_6 : memref<512x8192xf32, #tpu.memory_space<hbm>>) target(%arg6 : memref<8x8192xf32, #tpu.memory_space<vmem>>) offsets(%arg5 : memref<8xi32, #tpu.memory_space<vmem>>) semaphore(%arg7 : memref<!tpu.dma_semaphore, #tpu.memory_space<semaphore_mem>>)
    %dma_wait3A = arith.constant 0 : i32
    %dma_wait3A_7 = arith.constant 0 : i32
    %dma_wait3A_8 = tpu.memref_slice %arg2[%dma_wait3A, %dma_wait3A_7] : memref<512x8192xf32, #tpu.memory_space<hbm>> -> memref<512x8192xf32, #tpu.memory_space<hbm>>
    tpu.wait_indirect_dma semaphore(%arg7 : memref<!tpu.dma_semaphore, #tpu.memory_space<semaphore_mem>>) src(%dma_wait3A_8 : memref<512x8192xf32, #tpu.memory_space<hbm>>) dst(%arg6 : memref<8x8192xf32, #tpu.memory_space<vmem>>)
    %add3A_9 = arith.constant 0 : i32
    %add3A_10 = arith.addi %mul3A_2, %add3A_9 : i32
    "tpu.region"() ({
      %run_scoped3A = tpu.sem_alloc : memref<!tpu.dma_semaphore, #tpu.memory_space<semaphore_mem>>
      %dma_start3A_21 = arith.constant 0 : i32
      %dma_start3A_22 = tpu.memref_slice %arg4[%add3A_10, %dma_start3A_21] : memref<512x8192xf32, #tpu.memory_space<hbm>> -> memref<8x8192xf32, #tpu.memory_space<hbm>>
      %dma_start3A_23 = arith.constant 0 : i32
      %dma_start3A_24 = tpu.memref_slice %arg4[%add3A_10, %dma_start3A_23] : memref<512x8192xf32, #tpu.memory_space<hbm>> -> memref<8x8192xf32, #tpu.memory_space<hbm>>
      tpu.enqueue_dma source(%arg6 : memref<8x8192xf32, #tpu.memory_space<vmem>>) target(%dma_start3A_24 : memref<8x8192xf32, #tpu.memory_space<hbm>>) target_semaphore(%run_scoped3A : memref<!tpu.dma_semaphore, #tpu.memory_space<semaphore_mem>>)
      %dma_wait3A_25 = arith.constant 0 : i32
      %dma_wait3A_26 = tpu.memref_slice %arg4[%add3A_10, %dma_wait3A_25] : memref<512x8192xf32, #tpu.memory_space<hbm>> -> memref<8x8192xf32, #tpu.memory_space<hbm>>
      %dma_wait3A_27 = arith.constant 0 : i32
      %dma_wait3A_28 = tpu.memref_slice %arg4[%add3A_10, %dma_wait3A_27] : memref<512x8192xf32, #tpu.memory_space<hbm>> -> memref<8x8192xf32, #tpu.memory_space<hbm>>
      tpu.wait_dma2 semaphore(%run_scoped3A : memref<!tpu.dma_semaphore, #tpu.memory_space<semaphore_mem>>) src(%arg6 : memref<8x8192xf32, #tpu.memory_space<vmem>>) dst(%dma_wait3A_28 : memref<8x8192xf32, #tpu.memory_space<hbm>>)
      tpu.yield
    }) : () -> ()
    %add3A_11 = arith.constant 8 : i32
    %add3A_12 = arith.addi %mul3A_2, %add3A_11 : i32
    "tpu.region"() ({
      %run_scoped3A = tpu.sem_alloc : memref<!tpu.dma_semaphore, #tpu.memory_space<semaphore_mem>>
      %dma_start3A_21 = tpu.memref_slice %arg3[%add3A_12] : memref<512xi32, #tpu.memory_space<hbm>> -> memref<8xi32, #tpu.memory_space<hbm>>
      %dma_start3A_22 = tpu.memref_slice %arg3[%add3A_12] : memref<512xi32, #tpu.memory_space<hbm>> -> memref<8xi32, #tpu.memory_space<hbm>>
      tpu.enqueue_dma source(%dma_start3A_22 : memref<8xi32, #tpu.memory_space<hbm>>) target(%arg5 : memref<8xi32, #tpu.memory_space<vmem>>) target_semaphore(%run_scoped3A : memref<!tpu.dma_semaphore, #tpu.memory_space<semaphore_mem>>)
      %dma_wait3A_23 = tpu.memref_slice %arg3[%add3A_12] : memref<512xi32, #tpu.memory_space<hbm>> -> memref<8xi32, #tpu.memory_space<hbm>>
      %dma_wait3A_24 = tpu.memref_slice %arg3[%add3A_12] : memref<512xi32, #tpu.memory_space<hbm>> -> memref<8xi32, #tpu.memory_space<hbm>>
      tpu.wait_dma2 semaphore(%run_scoped3A : memref<!tpu.dma_semaphore, #tpu.memory_space<semaphore_mem>>) src(%dma_wait3A_24 : memref<8xi32, #tpu.memory_space<hbm>>) dst(%arg5 : memref<8xi32, #tpu.memory_space<vmem>>)
      tpu.yield
    }) : () -> ()
    %dma_start3A_13 = arith.constant 0 : i32
    %dma_start3A_14 = arith.constant 0 : i32
    %dma_start3A_15 = tpu.memref_slice %arg2[%dma_start3A_13, %dma_start3A_14] : memref<512x8192xf32, #tpu.memory_space<hbm>> -> memref<512x8192xf32, #tpu.memory_space<hbm>>
    tpu.enqueue_indirect_dma source(%dma_start3A_15 : memref<512x8192xf32, #tpu.memory_space<hbm>>) target(%arg6 : memref<8x8192xf32, #tpu.memory_space<vmem>>) offsets(%arg5 : memref<8xi32, #tpu.memory_space<vmem>>) semaphore(%arg7 : memref<!tpu.dma_semaphore, #tpu.memory_space<semaphore_mem>>)
    %dma_wait3A_16 = arith.constant 0 : i32
    %dma_wait3A_17 = arith.constant 0 : i32
    %dma_wait3A_18 = tpu.memref_slice %arg2[%dma_wait3A_16, %dma_wait3A_17] : memref<512x8192xf32, #tpu.memory_space<hbm>> -> memref<512x8192xf32, #tpu.memory_space<hbm>>
    tpu.wait_indirect_dma semaphore(%arg7 : memref<!tpu.dma_semaphore, #tpu.memory_space<semaphore_mem>>) src(%dma_wait3A_18 : memref<512x8192xf32, #tpu.memory_space<hbm>>) dst(%arg6 : memref<8x8192xf32, #tpu.memory_space<vmem>>)
    %add3A_19 = arith.constant 8 : i32
    %add3A_20 = arith.addi %mul3A_2, %add3A_19 : i32
    "tpu.region"() ({
      %run_scoped3A = tpu.sem_alloc : memref<!tpu.dma_semaphore, #tpu.memory_space<semaphore_mem>>
      %dma_start3A_21 = arith.constant 0 : i32
      %dma_start3A_22 = tpu.memref_slice %arg4[%add3A_20, %dma_start3A_21] : memref<512x8192xf32, #tpu.memory_space<hbm>> -> memref<8x8192xf32, #tpu.memory_space<hbm>>
      %dma_start3A_23 = arith.constant 0 : i32
      %dma_start3A_24 = tpu.memref_slice %arg4[%add3A_20, %dma_start3A_23] : memref<512x8192xf32, #tpu.memory_space<hbm>> -> memref<8x8192xf32, #tpu.memory_space<hbm>>
      tpu.enqueue_dma source(%arg6 : memref<8x8192xf32, #tpu.memory_space<vmem>>) target(%dma_start3A_24 : memref<8x8192xf32, #tpu.memory_space<hbm>>) target_semaphore(%run_scoped3A : memref<!tpu.dma_semaphore, #tpu.memory_space<semaphore_mem>>)
      %dma_wait3A_25 = arith.constant 0 : i32
      %dma_wait3A_26 = tpu.memref_slice %arg4[%add3A_20, %dma_wait3A_25] : memref<512x8192xf32, #tpu.memory_space<hbm>> -> memref<8x8192xf32, #tpu.memory_space<hbm>>
      %dma_wait3A_27 = arith.constant 0 : i32
      %dma_wait3A_28 = tpu.memref_slice %arg4[%add3A_20, %dma_wait3A_27] : memref<512x8192xf32, #tpu.memory_space<hbm>> -> memref<8x8192xf32, #tpu.memory_space<hbm>>
      tpu.wait_dma2 semaphore(%run_scoped3A : memref<!tpu.dma_semaphore, #tpu.memory_space<semaphore_mem>>) src(%arg6 : memref<8x8192xf32, #tpu.memory_space<vmem>>) dst(%dma_wait3A_28 : memref<8x8192xf32, #tpu.memory_space<hbm>>)
      tpu.yield
    }) : () -> ()
    return
  }
}

module attributes {stable_mosaic.version = 14 : i64} {
  func.func @_votes_route_body(%arg0: i32, %arg1: memref<1x2048x64xf32, #tpu.memory_space<vmem>>, %arg2: memref<2048x64xf32, #tpu.memory_space<vmem>>, %arg3: memref<2048x64xf32, #tpu.memory_space<vmem>>, %arg4: memref<1x2048x64xf32, #tpu.memory_space<vmem>>, %arg5: memref<1x1x16xi32, #tpu.memory_space<vmem>>, %arg6: memref<1x1x16xf32, #tpu.memory_space<vmem>>, %arg7: memref<1x1x64xf32, #tpu.memory_space<vmem>>, %arg8: memref<2048x512xf32, #tpu.memory_space<vmem>>, %arg9: memref<16x512xf32, #tpu.memory_space<vmem>>) attributes {dimension_semantics = [#tpu.dimension_semantics<arbitrary>], iteration_bounds = array<i64: 32>, scalar_prefetch = 0 : i64, scratch_operands = 2 : i64, tpu.core_type = #tpu.core_type<tc>, window_params = [{transform_indices = @transform_0, window_bounds = array<i64: 1, 2048, 64>}, {pipeline_mode = #tpu.pipeline_mode<synchronous>, transform_indices = @transform_1, window_bounds = array<i64: 2048, 64>}, {pipeline_mode = #tpu.pipeline_mode<synchronous>, transform_indices = @transform_2, window_bounds = array<i64: 2048, 64>}, {transform_indices = @transform_3, window_bounds = array<i64: 1, 2048, 64>}, {transform_indices = @transform_4, window_bounds = array<i64: 1, 1, 16>}, {transform_indices = @transform_5, window_bounds = array<i64: 1, 1, 16>}, {transform_indices = @transform_6, window_bounds = array<i64: 1, 1, 64>}]} {
    %iota3A = tpu.iota {dimensions = array<i32: 0>} : vector<64x512xi32>
    %iota3A_0 = tpu.iota {dimensions = array<i32: 1>} : vector<64x512xi32>
    %jit3A = arith.constant 64 : i32
    %div3A = vector.broadcast %jit3A : i32 to vector<64x512xi32>
    %div3A_1 = arith.divsi %iota3A_0, %div3A : vector<64x512xi32>
    %sign3A = arith.constant 0 : i32
    %sign3A_2 = vector.broadcast %sign3A : i32 to vector<64x512xi32>
    %sign3A_3 = arith.cmpi sgt, %iota3A_0, %sign3A_2 : vector<64x512xi32>
    %sign3A_4 = arith.extui %sign3A_3 : vector<64x512xi1> to vector<64x512xi32>
    %sign3A_5 = arith.constant 0 : i32
    %sign3A_6 = vector.broadcast %sign3A_5 : i32 to vector<64x512xi32>
    %sign3A_7 = arith.cmpi slt, %iota3A_0, %sign3A_6 : vector<64x512xi32>
    %sign3A_8 = arith.extui %sign3A_7 : vector<64x512xi1> to vector<64x512xi32>
    %sign3A_9 = arith.subi %sign3A_4, %sign3A_8 : vector<64x512xi32>
    %sign3A_10 = arith.constant 0 : i32
    %sign3A_11 = arith.cmpi sgt, %jit3A, %sign3A_10 : i32
    %sign3A_12 = arith.extui %sign3A_11 : i1 to i32
    %sign3A_13 = arith.constant 0 : i32
    %sign3A_14 = arith.cmpi slt, %jit3A, %sign3A_13 : i32
    %sign3A_15 = arith.extui %sign3A_14 : i1 to i32
    %sign3A_16 = arith.subi %sign3A_12, %sign3A_15 : i32
    %ne3A = vector.broadcast %sign3A_16 : i32 to vector<64x512xi32>
    %ne3A_17 = arith.cmpi ne, %sign3A_9, %ne3A : vector<64x512xi32>
    %rem3A = vector.broadcast %jit3A : i32 to vector<64x512xi32>
    %rem3A_18 = arith.remsi %iota3A_0, %rem3A : vector<64x512xi32>
    %ne3A_19 = arith.constant 0 : i32
    %ne3A_20 = vector.broadcast %ne3A_19 : i32 to vector<64x512xi32>
    %ne3A_21 = arith.cmpi ne, %rem3A_18, %ne3A_20 : vector<64x512xi32>
    %and3A = arith.andi %ne3A_17, %ne3A_21 : vector<64x512xi1>
    %sub3A = arith.constant 1 : i32
    %sub3A_22 = vector.broadcast %sub3A : i32 to vector<64x512xi32>
    %sub3A_23 = arith.subi %div3A_1, %sub3A_22 : vector<64x512xi32>
    %select_n3A = arith.select %and3A, %sub3A_23, %div3A_1 : vector<64x512xi1>, vector<64x512xi32>
    %jit3A_24 = arith.constant 64 : i32
    %eq3A = arith.constant 0 : i32
    %eq3A_25 = arith.cmpi eq, %jit3A_24, %eq3A : i32
    %jit3A_26 = arith.constant 1 : i32
    %select_n3A_27 = arith.select %eq3A_25, %jit3A_26, %jit3A_24 : i32
    %rem3A_28 = vector.broadcast %select_n3A_27 : i32 to vector<64x512xi32>
    %rem3A_29 = arith.remsi %iota3A_0, %rem3A_28 : vector<64x512xi32>
    %ne3A_30 = arith.constant 0 : i32
    %ne3A_31 = vector.broadcast %ne3A_30 : i32 to vector<64x512xi32>
    %ne3A_32 = arith.cmpi ne, %rem3A_29, %ne3A_31 : vector<64x512xi32>
    %lt3A = arith.constant 0 : i32
    %lt3A_33 = vector.broadcast %lt3A : i32 to vector<64x512xi32>
    %lt3A_34 = arith.cmpi slt, %rem3A_29, %lt3A_33 : vector<64x512xi32>
    %lt3A_35 = arith.constant 0 : i32
    %lt3A_36 = arith.cmpi slt, %select_n3A_27, %lt3A_35 : i32
    %ne3A_37 = vector.broadcast %lt3A_36 : i1 to vector<64x512xi1>
    %ne3A_38 = vector.broadcast %ne3A_37 : vector<64x512xi1> to vector<64x512xi1>
    %ne3A_39 = arith.xori %lt3A_34, %ne3A_38 : vector<64x512xi1>
    %and3A_40 = arith.andi %ne3A_39, %ne3A_32 : vector<64x512xi1>
    %add3A = vector.broadcast %select_n3A_27 : i32 to vector<64x512xi32>
    %add3A_41 = arith.addi %rem3A_29, %add3A : vector<64x512xi32>
    %select_n3A_42 = arith.select %and3A_40, %add3A_41, %rem3A_29 : vector<64x512xi1>, vector<64x512xi32>
    %jit3A_43 = arith.constant 8 : i32
    %div3A_44 = vector.broadcast %jit3A_43 : i32 to vector<64x512xi32>
    %div3A_45 = arith.divsi %select_n3A_42, %div3A_44 : vector<64x512xi32>
    %sign3A_46 = arith.constant 0 : i32
    %sign3A_47 = vector.broadcast %sign3A_46 : i32 to vector<64x512xi32>
    %sign3A_48 = arith.cmpi sgt, %select_n3A_42, %sign3A_47 : vector<64x512xi32>
    %sign3A_49 = arith.extui %sign3A_48 : vector<64x512xi1> to vector<64x512xi32>
    %sign3A_50 = arith.constant 0 : i32
    %sign3A_51 = vector.broadcast %sign3A_50 : i32 to vector<64x512xi32>
    %sign3A_52 = arith.cmpi slt, %select_n3A_42, %sign3A_51 : vector<64x512xi32>
    %sign3A_53 = arith.extui %sign3A_52 : vector<64x512xi1> to vector<64x512xi32>
    %sign3A_54 = arith.subi %sign3A_49, %sign3A_53 : vector<64x512xi32>
    %sign3A_55 = arith.constant 0 : i32
    %sign3A_56 = arith.cmpi sgt, %jit3A_43, %sign3A_55 : i32
    %sign3A_57 = arith.extui %sign3A_56 : i1 to i32
    %sign3A_58 = arith.constant 0 : i32
    %sign3A_59 = arith.cmpi slt, %jit3A_43, %sign3A_58 : i32
    %sign3A_60 = arith.extui %sign3A_59 : i1 to i32
    %sign3A_61 = arith.subi %sign3A_57, %sign3A_60 : i32
    %ne3A_62 = vector.broadcast %sign3A_61 : i32 to vector<64x512xi32>
    %ne3A_63 = arith.cmpi ne, %sign3A_54, %ne3A_62 : vector<64x512xi32>
    %rem3A_64 = vector.broadcast %jit3A_43 : i32 to vector<64x512xi32>
    %rem3A_65 = arith.remsi %select_n3A_42, %rem3A_64 : vector<64x512xi32>
    %ne3A_66 = arith.constant 0 : i32
    %ne3A_67 = vector.broadcast %ne3A_66 : i32 to vector<64x512xi32>
    %ne3A_68 = arith.cmpi ne, %rem3A_65, %ne3A_67 : vector<64x512xi32>
    %and3A_69 = arith.andi %ne3A_63, %ne3A_68 : vector<64x512xi1>
    %sub3A_70 = arith.constant 1 : i32
    %sub3A_71 = vector.broadcast %sub3A_70 : i32 to vector<64x512xi32>
    %sub3A_72 = arith.subi %div3A_45, %sub3A_71 : vector<64x512xi32>
    %select_n3A_73 = arith.select %and3A_69, %sub3A_72, %div3A_45 : vector<64x512xi1>, vector<64x512xi32>
    %jit3A_74 = arith.constant 8 : i32
    %eq3A_75 = arith.constant 0 : i32
    %eq3A_76 = arith.cmpi eq, %jit3A_74, %eq3A_75 : i32
    %jit3A_77 = arith.constant 1 : i32
    %select_n3A_78 = arith.select %eq3A_76, %jit3A_77, %jit3A_74 : i32
    %rem3A_79 = vector.broadcast %select_n3A_78 : i32 to vector<64x512xi32>
    %rem3A_80 = arith.remsi %select_n3A_42, %rem3A_79 : vector<64x512xi32>
    %ne3A_81 = arith.constant 0 : i32
    %ne3A_82 = vector.broadcast %ne3A_81 : i32 to vector<64x512xi32>
    %ne3A_83 = arith.cmpi ne, %rem3A_80, %ne3A_82 : vector<64x512xi32>
    %lt3A_84 = arith.constant 0 : i32
    %lt3A_85 = vector.broadcast %lt3A_84 : i32 to vector<64x512xi32>
    %lt3A_86 = arith.cmpi slt, %rem3A_80, %lt3A_85 : vector<64x512xi32>
    %lt3A_87 = arith.constant 0 : i32
    %lt3A_88 = arith.cmpi slt, %select_n3A_78, %lt3A_87 : i32
    %ne3A_89 = vector.broadcast %lt3A_88 : i1 to vector<64x512xi1>
    %ne3A_90 = vector.broadcast %ne3A_89 : vector<64x512xi1> to vector<64x512xi1>
    %ne3A_91 = arith.xori %lt3A_86, %ne3A_90 : vector<64x512xi1>
    %and3A_92 = arith.andi %ne3A_91, %ne3A_83 : vector<64x512xi1>
    %add3A_93 = vector.broadcast %select_n3A_78 : i32 to vector<64x512xi32>
    %add3A_94 = arith.addi %rem3A_80, %add3A_93 : vector<64x512xi32>
    %select_n3A_95 = arith.select %and3A_92, %add3A_94, %rem3A_80 : vector<64x512xi1>, vector<64x512xi32>
    %mul3A = arith.constant 8 : i32
    %mul3A_96 = vector.broadcast %mul3A : i32 to vector<64x512xi32>
    %mul3A_97 = arith.muli %select_n3A_73, %mul3A_96 : vector<64x512xi32>
    %add3A_98 = arith.addi %mul3A_97, %select_n3A : vector<64x512xi32>
    %eq3A_99 = arith.cmpi eq, %iota3A, %add3A_98 : vector<64x512xi32>
    %jit3A_100 = arith.constant 1.000000e+00 : f32
    %jit3A_101 = arith.constant 0.000000e+00 : f32
    %broadcast_in_dim3A = vector.broadcast %jit3A_100 : f32 to vector<64x512xf32>
    %broadcast_in_dim3A_102 = vector.broadcast %jit3A_101 : f32 to vector<64x512xf32>
    %select_n3A_103 = arith.select %eq3A_99, %broadcast_in_dim3A, %broadcast_in_dim3A_102 : vector<64x512xi1>, vector<64x512xf32>
    %mul3A_104 = arith.constant 8 : i32
    %mul3A_105 = vector.broadcast %mul3A_104 : i32 to vector<64x512xi32>
    %mul3A_106 = arith.muli %select_n3A, %mul3A_105 : vector<64x512xi32>
    %add3A_107 = arith.addi %mul3A_106, %select_n3A_95 : vector<64x512xi32>
    %eq3A_108 = arith.cmpi eq, %iota3A, %add3A_107 : vector<64x512xi32>
    %jit3A_109 = arith.constant 1.000000e+00 : f32
    %jit3A_110 = arith.constant 0.000000e+00 : f32
    %broadcast_in_dim3A_111 = vector.broadcast %jit3A_109 : f32 to vector<64x512xf32>
    %broadcast_in_dim3A_112 = vector.broadcast %jit3A_110 : f32 to vector<64x512xf32>
    %select_n3A_113 = arith.select %eq3A_108, %broadcast_in_dim3A_111, %broadcast_in_dim3A_112 : vector<64x512xi1>, vector<64x512xf32>
    %eq3A_114 = arith.constant 0 : i32
    %eq3A_115 = arith.cmpi eq, %arg0, %eq3A_114 : i32
    %convert_element_type3A = arith.extui %eq3A_115 : i1 to i32
    %cond3A = arith.constant 0 : i32
    %cond3A_116 = arith.cmpi ne, %convert_element_type3A, %cond3A : i32
    scf.if %cond3A_116 {
      %get3A_214 = arith.constant 0 : index
      %get3A_215 = arith.constant 0 : index
      %get3A_216 = vector.load %arg2[%get3A_214, %get3A_215] : memref<2048x64xf32, #tpu.memory_space<vmem>>, vector<2048x64xf32>
      %dot_general3A_217 = arith.constant dense<0.000000e+00> : vector<2048x512xf32>
      %dot_general3A_218 = tpu.matmul %get3A_216, %select_n3A_113, %dot_general3A_217 {dimension_numbers = #tpu.dot_dimension_numbers<[1], [0], [0], [1], [0, 0, 1, 1], [], []>, transpose_lhs_hint = false} : vector<2048x64xf32>, vector<64x512xf32>, vector<2048x512xf32> -> vector<2048x512xf32>
      %swap3A_219 = arith.constant 0 : index
      %swap3A_220 = arith.constant 0 : index
      %swap3A_221 = vector.load %arg8[%swap3A_219, %swap3A_220] : memref<2048x512xf32, #tpu.memory_space<vmem>>, vector<2048x512xf32>
      tpu.vector_store %arg8[%swap3A_219, %swap3A_220], %dot_general3A_218 {strides = array<i32>} : memref<2048x512xf32, #tpu.memory_space<vmem>>, vector<2048x512xf32>,
      %get3A_222 = arith.constant 0 : index
      %get3A_223 = arith.constant 0 : index
      %get3A_224 = vector.load %arg3[%get3A_222, %get3A_223] : memref<2048x64xf32, #tpu.memory_space<vmem>>, vector<2048x64xf32>
      %reshape3A_225 = vector.shape_cast %get3A_224 : vector<2048x64xf32> to vector<16x128x64xf32>
      %reduce_sum3A_226 = arith.constant dense<0.000000e+00> : vector<16x64xf32>
      %reduce_sum3A_227 = vector.multi_reduction <add>, %reshape3A_225, %reduce_sum3A_226 [1] : vector<16x128x64xf32> to vector<16x64xf32>
      %mul3A_228 = arith.constant 7.812500e-03 : f32
      %mul3A_229 = vector.broadcast %mul3A_228 : f32 to vector<16x64xf32>
      %mul3A_230 = arith.mulf %reduce_sum3A_227, %mul3A_229 : vector<16x64xf32>
      %dot_general3A_231 = arith.constant dense<0.000000e+00> : vector<16x512xf32>
      %dot_general3A_232 = tpu.matmul %mul3A_230, %select_n3A_113, %dot_general3A_231 {dimension_numbers = #tpu.dot_dimension_numbers<[1], [0], [0], [1], [0, 0, 1, 1], [], []>, transpose_lhs_hint = false} : vector<16x64xf32>, vector<64x512xf32>, vector<16x512xf32> -> vector<16x512xf32>
      %swap3A_233 = arith.constant 0 : index
      %swap3A_234 = arith.constant 0 : index
      %swap3A_235 = vector.load %arg9[%swap3A_233, %swap3A_234] : memref<16x512xf32, #tpu.memory_space<vmem>>, vector<16x512xf32>
      tpu.vector_store %arg9[%swap3A_233, %swap3A_234], %dot_general3A_232 {strides = array<i32>} : memref<16x512xf32, #tpu.memory_space<vmem>>, vector<16x512xf32>,
    } else {
    }
    %get3A = arith.constant 0 : index
    %get3A_117 = arith.constant 0 : index
    %get3A_118 = arith.constant 0 : index
    %get3A_119 = vector.load %arg1[%get3A, %get3A_117, %get3A_118] : memref<1x2048x64xf32, #tpu.memory_space<vmem>>, vector<1x2048x64xf32>
    %get3A_120 = vector.shape_cast %get3A_119 : vector<1x2048x64xf32> to vector<2048x64xf32>
    %dot_general3A = arith.constant dense<0.000000e+00> : vector<2048x512xf32>
    %dot_general3A_121 = tpu.matmul %get3A_120, %select_n3A_103, %dot_general3A {dimension_numbers = #tpu.dot_dimension_numbers<[1], [0], [0], [1], [0, 0, 1, 1], [], []>, transpose_lhs_hint = false} : vector<2048x64xf32>, vector<64x512xf32>, vector<2048x512xf32> -> vector<2048x512xf32>
    %get3A_122 = arith.constant 0 : index
    %get3A_123 = arith.constant 0 : index
    %get3A_124 = vector.load %arg8[%get3A_122, %get3A_123] : memref<2048x512xf32, #tpu.memory_space<vmem>>, vector<2048x512xf32>
    %mul3A_125 = arith.mulf %dot_general3A_121, %get3A_124 : vector<2048x512xf32>
    %slice3A = vector.extract_strided_slice %mul3A_125 {offsets = [0, 0], sizes = [2048, 256], strides = [1, 1]} : vector<2048x512xf32> to vector<2048x256xf32>
    %slice3A_126 = vector.extract_strided_slice %mul3A_125 {offsets = [0, 256], sizes = [2048, 256], strides = [1, 1]} : vector<2048x512xf32> to vector<2048x256xf32>
    %add3A_127 = arith.addf %slice3A, %slice3A_126 : vector<2048x256xf32>
    %slice3A_128 = vector.extract_strided_slice %add3A_127 {offsets = [0, 0], sizes = [2048, 128], strides = [1, 1]} : vector<2048x256xf32> to vector<2048x128xf32>
    %slice3A_129 = vector.extract_strided_slice %add3A_127 {offsets = [0, 128], sizes = [2048, 128], strides = [1, 1]} : vector<2048x256xf32> to vector<2048x128xf32>
    %add3A_130 = arith.addf %slice3A_128, %slice3A_129 : vector<2048x128xf32>
    %slice3A_131 = vector.extract_strided_slice %add3A_130 {offsets = [0, 0], sizes = [2048, 64], strides = [1, 1]} : vector<2048x128xf32> to vector<2048x64xf32>
    %slice3A_132 = vector.extract_strided_slice %add3A_130 {offsets = [0, 64], sizes = [2048, 64], strides = [1, 1]} : vector<2048x128xf32> to vector<2048x64xf32>
    %add3A_133 = arith.addf %slice3A_131, %slice3A_132 : vector<2048x64xf32>
    %swap3A = arith.constant 0 : index
    %swap3A_134 = arith.constant 0 : index
    %swap3A_135 = arith.constant 0 : index
    %swap3A_136 = vector.load %arg4[%swap3A, %swap3A_134, %swap3A_135] : memref<1x2048x64xf32, #tpu.memory_space<vmem>>, vector<1x2048x64xf32>
    %swap3A_137 = vector.shape_cast %swap3A_136 : vector<1x2048x64xf32> to vector<2048x64xf32>
    %swap3A_138 = vector.shape_cast %add3A_133 : vector<2048x64xf32> to vector<1x2048x64xf32>
    tpu.vector_store %arg4[%swap3A, %swap3A_134, %swap3A_135], %swap3A_138 {strides = array<i32>} : memref<1x2048x64xf32, #tpu.memory_space<vmem>>, vector<1x2048x64xf32>,
    %reshape3A = vector.shape_cast %add3A_133 : vector<2048x64xf32> to vector<16x128x64xf32>
    %reduce_sum3A = arith.constant dense<0.000000e+00> : vector<16x64xf32>
    %reduce_sum3A_139 = vector.multi_reduction <add>, %reshape3A, %reduce_sum3A [1] : vector<16x128x64xf32> to vector<16x64xf32>
    %mul3A_140 = arith.constant 7.812500e-03 : f32
    %mul3A_141 = vector.broadcast %mul3A_140 : f32 to vector<16x64xf32>
    %mul3A_142 = arith.mulf %reduce_sum3A_139, %mul3A_141 : vector<16x64xf32>
    %reduce_sum3A_143 = arith.constant dense<0.000000e+00> : vector<64xf32>
    %reduce_sum3A_144 = vector.multi_reduction <add>, %add3A_133, %reduce_sum3A_143 [0] : vector<2048x64xf32> to vector<64xf32>
    %broadcast_in_dim3A_145 = vector.shape_cast %reduce_sum3A_144 : vector<64xf32> to vector<1x64xf32>
    %mul3A_146 = arith.constant 4.8828125E-4 : f32
    %mul3A_147 = vector.broadcast %mul3A_146 : f32 to vector<1x64xf32>
    %mul3A_148 = arith.mulf %broadcast_in_dim3A_145, %mul3A_147 : vector<1x64xf32>
    %swap3A_149 = arith.constant 0 : index
    %swap3A_150 = arith.constant 0 : index
    %swap3A_151 = arith.constant 0 : index
    %swap3A_152 = vector.load %arg7[%swap3A_149, %swap3A_150, %swap3A_151] : memref<1x1x64xf32, #tpu.memory_space<vmem>>, vector<1x1x64xf32>
    %swap3A_153 = vector.shape_cast %swap3A_152 : vector<1x1x64xf32> to vector<1x64xf32>
    %swap3A_154 = vector.shape_cast %mul3A_148 : vector<1x64xf32> to vector<1x1x64xf32>
    tpu.vector_store %arg7[%swap3A_149, %swap3A_150, %swap3A_151], %swap3A_154 {strides = array<i32>} : memref<1x1x64xf32, #tpu.memory_space<vmem>>, vector<1x1x64xf32>,
    %dot_general3A_155 = arith.constant dense<0.000000e+00> : vector<1x512xf32>
    %dot_general3A_156 = tpu.matmul %mul3A_148, %select_n3A_103, %dot_general3A_155 {dimension_numbers = #tpu.dot_dimension_numbers<[1], [0], [0], [1], [0, 0, 1, 1], [], []>, transpose_lhs_hint = false} : vector<1x64xf32>, vector<64x512xf32>, vector<1x512xf32> -> vector<1x512xf32>
    %get3A_157 = arith.constant 0 : index
    %get3A_158 = arith.constant 0 : index
    %get3A_159 = vector.load %arg9[%get3A_157, %get3A_158] : memref<16x512xf32, #tpu.memory_space<vmem>>, vector<16x512xf32>
    %mul3A_160 = vector.broadcast %dot_general3A_156 : vector<1x512xf32> to vector<16x512xf32>
    %mul3A_161 = arith.mulf %mul3A_160, %get3A_159 : vector<16x512xf32>
    %slice3A_162 = vector.extract_strided_slice %mul3A_161 {offsets = [0, 0], sizes = [16, 256], strides = [1, 1]} : vector<16x512xf32> to vector<16x256xf32>
    %slice3A_163 = vector.extract_strided_slice %mul3A_161 {offsets = [0, 256], sizes = [16, 256], strides = [1, 1]} : vector<16x512xf32> to vector<16x256xf32>
    %add3A_164 = arith.addf %slice3A_162, %slice3A_163 : vector<16x256xf32>
    %slice3A_165 = vector.extract_strided_slice %add3A_164 {offsets = [0, 0], sizes = [16, 128], strides = [1, 1]} : vector<16x256xf32> to vector<16x128xf32>
    %slice3A_166 = vector.extract_strided_slice %add3A_164 {offsets = [0, 128], sizes = [16, 128], strides = [1, 1]} : vector<16x256xf32> to vector<16x128xf32>
    %add3A_167 = arith.addf %slice3A_165, %slice3A_166 : vector<16x128xf32>
    %slice3A_168 = vector.extract_strided_slice %add3A_167 {offsets = [0, 0], sizes = [16, 64], strides = [1, 1]} : vector<16x128xf32> to vector<16x64xf32>
    %slice3A_169 = vector.extract_strided_slice %add3A_167 {offsets = [0, 64], sizes = [16, 64], strides = [1, 1]} : vector<16x128xf32> to vector<16x64xf32>
    %add3A_170 = arith.addf %slice3A_168, %slice3A_169 : vector<16x64xf32>
    %dot_general3A_171 = arith.constant dense<0.000000e+00> : vector<16x16xf32>
    %dot_general3A_172 = tpu.matmul %add3A_170, %mul3A_142, %dot_general3A_171 {dimension_numbers = #tpu.dot_dimension_numbers<[1], [1], [0], [0], [0, 0, 1, 0], [], []>, transpose_lhs_hint = false} : vector<16x64xf32>, vector<16x64xf32>, vector<16x16xf32> -> vector<16x16xf32>
    %mul3A_173 = arith.constant 1.250000e-01 : f32
    %mul3A_174 = vector.broadcast %mul3A_173 : f32 to vector<16x16xf32>
    %mul3A_175 = arith.mulf %dot_general3A_172, %mul3A_174 : vector<16x16xf32>
    %div3A_176 = arith.constant 7.500000e-01 : f32
    %div3A_177 = vector.broadcast %div3A_176 : f32 to vector<16x16xf32>
    %div3A_178 = arith.divf %mul3A_175, %div3A_177 : vector<16x16xf32>
    %reduce_max3A = arith.constant dense<0xFF800000> : vector<16xf32>
    %reduce_max3A_179 = vector.multi_reduction <maximumf>, %div3A_178, %reduce_max3A [1] : vector<16x16xf32> to vector<16xf32>
    %broadcast_in_dim3A_180 = vector.shape_cast %reduce_max3A_179 : vector<16xf32> to vector<16x1xf32>
    %sub3A_181 = vector.broadcast %broadcast_in_dim3A_180 : vector<16x1xf32> to vector<16x16xf32>
    %sub3A_182 = arith.subf %div3A_178, %sub3A_181 : vector<16x16xf32>
    %exp3A = math.exp %sub3A_182 : vector<16x16xf32>
    %reduce_sum3A_183 = arith.constant dense<0.000000e+00> : vector<16xf32>
    %reduce_sum3A_184 = vector.multi_reduction <add>, %exp3A, %reduce_sum3A_183 [1] : vector<16x16xf32> to vector<16xf32>
    %broadcast_in_dim3A_185 = vector.shape_cast %reduce_sum3A_184 : vector<16xf32> to vector<16x1xf32>
    %div3A_186 = vector.broadcast %broadcast_in_dim3A_185 : vector<16x1xf32> to vector<16x16xf32>
    %div3A_187 = arith.divf %exp3A, %div3A_186 : vector<16x16xf32>
    %reduce_max3A_188 = arith.constant dense<0xFF800000> : vector<16xf32>
    %reduce_max3A_189 = vector.multi_reduction <maximumf>, %div3A_187, %reduce_max3A_188 [1] : vector<16x16xf32> to vector<16xf32>
    %broadcast_in_dim3A_190 = vector.shape_cast %reduce_max3A_189 : vector<16xf32> to vector<16x1xf32>
    %iota3A_191 = tpu.iota {dimensions = array<i32: 1>} : vector<16x16xi32>
    %eq3A_192 = vector.broadcast %broadcast_in_dim3A_190 : vector<16x1xf32> to vector<16x16xf32>
    %eq3A_193 = arith.cmpf oeq, %div3A_187, %eq3A_192 : vector<16x16xf32>
    %jit3A_194 = arith.constant 16 : i32
    %broadcast_in_dim3A_195 = vector.broadcast %jit3A_194 : i32 to vector<16x16xi32>
    %select_n3A_196 = arith.select %eq3A_193, %iota3A_191, %broadcast_in_dim3A_195 : vector<16x16xi1>, vector<16x16xi32>
    %reduce_min3A = arith.constant dense<2147483647> : vector<16xi32>
    %reduce_min3A_197 = vector.multi_reduction <minsi>, %select_n3A_196, %reduce_min3A [1] : vector<16x16xi32> to vector<16xi32>
    %mul3A_198 = arith.constant 16 : i32
    %mul3A_199 = arith.muli %arg0, %mul3A_198 : i32
    %add3A_200 = vector.broadcast %mul3A_199 : i32 to vector<16xi32>
    %add3A_201 = arith.addi %add3A_200, %reduce_min3A_197 : vector<16xi32>
    %swap3A_202 = arith.constant 0 : index
    %swap3A_203 = arith.constant 0 : index
    %swap3A_204 = arith.constant 0 : index
    %swap3A_205 = vector.load %arg5[%swap3A_202, %swap3A_203, %swap3A_204] : memref<1x1x16xi32, #tpu.memory_space<vmem>>, vector<1x1x16xi32>
    %swap3A_206 = vector.shape_cast %swap3A_205 : vector<1x1x16xi32> to vector<16xi32>
    %swap3A_207 = vector.shape_cast %add3A_201 : vector<16xi32> to vector<1x1x16xi32>
    tpu.vector_store %arg5[%swap3A_202, %swap3A_203, %swap3A_204], %swap3A_207 {strides = array<i32>} : memref<1x1x16xi32, #tpu.memory_space<vmem>>, vector<1x1x16xi32>,
    %squeeze3A = vector.shape_cast %broadcast_in_dim3A_190 : vector<16x1xf32> to vector<16xf32>
    %swap3A_208 = arith.constant 0 : index
    %swap3A_209 = arith.constant 0 : index
    %swap3A_210 = arith.constant 0 : index
    %swap3A_211 = vector.load %arg6[%swap3A_208, %swap3A_209, %swap3A_210] : memref<1x1x16xf32, #tpu.memory_space<vmem>>, vector<1x1x16xf32>
    %swap3A_212 = vector.shape_cast %swap3A_211 : vector<1x1x16xf32> to vector<16xf32>
    %swap3A_213 = vector.shape_cast %squeeze3A : vector<16xf32> to vector<1x1x16xf32>
    tpu.vector_store %arg6[%swap3A_208, %swap3A_209, %swap3A_210], %swap3A_213 {strides = array<i32>} : memref<1x1x16xf32, #tpu.memory_space<vmem>>, vector<1x1x16xf32>,
    return
  }
  func.func @transform_0(%arg0: i32) -> (i32, i32, i32) {
    %c0_i32 = arith.constant 0 : i32
    %c0_i32_0 = arith.constant 0 : i32
    %c0_i32_1 = arith.constant 0 : i32
    return %arg0, %c0_i32, %c0_i32_0 : i32, i32, i32
  }
  func.func @transform_1(%arg0: i32) -> (i32, i32) {
    %c0_i32 = arith.constant 0 : i32
    %c0_i32_0 = arith.constant 0 : i32
    %c0_i32_1 = arith.constant 0 : i32
    return %c0_i32, %c0_i32_0 : i32, i32
  }
  func.func @transform_2(%arg0: i32) -> (i32, i32) {
    %c0_i32 = arith.constant 0 : i32
    %c0_i32_0 = arith.constant 0 : i32
    %c0_i32_1 = arith.constant 0 : i32
    return %c0_i32, %c0_i32_0 : i32, i32
  }
  func.func @transform_3(%arg0: i32) -> (i32, i32, i32) {
    %c0_i32 = arith.constant 0 : i32
    %c0_i32_0 = arith.constant 0 : i32
    %c0_i32_1 = arith.constant 0 : i32
    return %arg0, %c0_i32, %c0_i32_0 : i32, i32, i32
  }
  func.func @transform_4(%arg0: i32) -> (i32, i32, i32) {
    %c0_i32 = arith.constant 0 : i32
    %c0_i32_0 = arith.constant 0 : i32
    %c0_i32_1 = arith.constant 0 : i32
    return %arg0, %c0_i32, %c0_i32_0 : i32, i32, i32
  }
  func.func @transform_5(%arg0: i32) -> (i32, i32, i32) {
    %c0_i32 = arith.constant 0 : i32
    %c0_i32_0 = arith.constant 0 : i32
    %c0_i32_1 = arith.constant 0 : i32
    return %arg0, %c0_i32, %c0_i32_0 : i32, i32, i32
  }
  func.func @transform_6(%arg0: i32) -> (i32, i32, i32) {
    %c0_i32 = arith.constant 0 : i32
    %c0_i32_0 = arith.constant 0 : i32
    %c0_i32_1 = arith.constant 0 : i32
    return %arg0, %c0_i32, %c0_i32_0 : i32, i32, i32
  }
}

module attributes {stable_mosaic.version = 14 : i64} {
  func.func @_attend_body(%arg0: i32, %arg1: memref<2x1x64xf32, #tpu.memory_space<vmem>>, %arg2: memref<2x2048x64xf32, #tpu.memory_space<vmem>>, %arg3: memref<2x2048x64xf32, #tpu.memory_space<vmem>>, %arg4: memref<2048x64xf32, #tpu.memory_space<vmem>>, %arg5: memref<32x1x16xf32, #tpu.memory_space<smem>>, %arg6: memref<2x2048x64xf32, #tpu.memory_space<vmem>>, %arg7: memref<2048x512xf32, #tpu.memory_space<vmem>>) attributes {dimension_semantics = [#tpu.dimension_semantics<arbitrary>], iteration_bounds = array<i64: 16>, scalar_prefetch = 0 : i64, scratch_operands = 1 : i64, tpu.core_type = #tpu.core_type<tc>, window_params = [{transform_indices = @transform_0, window_bounds = array<i64: 2, 1, 64>}, {transform_indices = @transform_1, window_bounds = array<i64: 2, 2048, 64>}, {transform_indices = @transform_2, window_bounds = array<i64: 2, 2048, 64>}, {pipeline_mode = #tpu.pipeline_mode<synchronous>, transform_indices = @transform_3, window_bounds = array<i64: 2048, 64>}, {transform_indices = @transform_4, window_bounds = array<i64: 32, 1, 16>}, {transform_indices = @transform_5, window_bounds = array<i64: 2, 2048, 64>}]} {
    %iota3A = tpu.iota {dimensions = array<i32: 0>} : vector<64x512xi32>
    %iota3A_0 = tpu.iota {dimensions = array<i32: 1>} : vector<64x512xi32>
    %jit3A = arith.constant 64 : i32
    %div3A = vector.broadcast %jit3A : i32 to vector<64x512xi32>
    %div3A_1 = arith.divsi %iota3A_0, %div3A : vector<64x512xi32>
    %sign3A = arith.constant 0 : i32
    %sign3A_2 = vector.broadcast %sign3A : i32 to vector<64x512xi32>
    %sign3A_3 = arith.cmpi sgt, %iota3A_0, %sign3A_2 : vector<64x512xi32>
    %sign3A_4 = arith.extui %sign3A_3 : vector<64x512xi1> to vector<64x512xi32>
    %sign3A_5 = arith.constant 0 : i32
    %sign3A_6 = vector.broadcast %sign3A_5 : i32 to vector<64x512xi32>
    %sign3A_7 = arith.cmpi slt, %iota3A_0, %sign3A_6 : vector<64x512xi32>
    %sign3A_8 = arith.extui %sign3A_7 : vector<64x512xi1> to vector<64x512xi32>
    %sign3A_9 = arith.subi %sign3A_4, %sign3A_8 : vector<64x512xi32>
    %sign3A_10 = arith.constant 0 : i32
    %sign3A_11 = arith.cmpi sgt, %jit3A, %sign3A_10 : i32
    %sign3A_12 = arith.extui %sign3A_11 : i1 to i32
    %sign3A_13 = arith.constant 0 : i32
    %sign3A_14 = arith.cmpi slt, %jit3A, %sign3A_13 : i32
    %sign3A_15 = arith.extui %sign3A_14 : i1 to i32
    %sign3A_16 = arith.subi %sign3A_12, %sign3A_15 : i32
    %ne3A = vector.broadcast %sign3A_16 : i32 to vector<64x512xi32>
    %ne3A_17 = arith.cmpi ne, %sign3A_9, %ne3A : vector<64x512xi32>
    %rem3A = vector.broadcast %jit3A : i32 to vector<64x512xi32>
    %rem3A_18 = arith.remsi %iota3A_0, %rem3A : vector<64x512xi32>
    %ne3A_19 = arith.constant 0 : i32
    %ne3A_20 = vector.broadcast %ne3A_19 : i32 to vector<64x512xi32>
    %ne3A_21 = arith.cmpi ne, %rem3A_18, %ne3A_20 : vector<64x512xi32>
    %and3A = arith.andi %ne3A_17, %ne3A_21 : vector<64x512xi1>
    %sub3A = arith.constant 1 : i32
    %sub3A_22 = vector.broadcast %sub3A : i32 to vector<64x512xi32>
    %sub3A_23 = arith.subi %div3A_1, %sub3A_22 : vector<64x512xi32>
    %select_n3A = arith.select %and3A, %sub3A_23, %div3A_1 : vector<64x512xi1>, vector<64x512xi32>
    %jit3A_24 = arith.constant 64 : i32
    %eq3A = arith.constant 0 : i32
    %eq3A_25 = arith.cmpi eq, %jit3A_24, %eq3A : i32
    %jit3A_26 = arith.constant 1 : i32
    %select_n3A_27 = arith.select %eq3A_25, %jit3A_26, %jit3A_24 : i32
    %rem3A_28 = vector.broadcast %select_n3A_27 : i32 to vector<64x512xi32>
    %rem3A_29 = arith.remsi %iota3A_0, %rem3A_28 : vector<64x512xi32>
    %ne3A_30 = arith.constant 0 : i32
    %ne3A_31 = vector.broadcast %ne3A_30 : i32 to vector<64x512xi32>
    %ne3A_32 = arith.cmpi ne, %rem3A_29, %ne3A_31 : vector<64x512xi32>
    %lt3A = arith.constant 0 : i32
    %lt3A_33 = vector.broadcast %lt3A : i32 to vector<64x512xi32>
    %lt3A_34 = arith.cmpi slt, %rem3A_29, %lt3A_33 : vector<64x512xi32>
    %lt3A_35 = arith.constant 0 : i32
    %lt3A_36 = arith.cmpi slt, %select_n3A_27, %lt3A_35 : i32
    %ne3A_37 = vector.broadcast %lt3A_36 : i1 to vector<64x512xi1>
    %ne3A_38 = vector.broadcast %ne3A_37 : vector<64x512xi1> to vector<64x512xi1>
    %ne3A_39 = arith.xori %lt3A_34, %ne3A_38 : vector<64x512xi1>
    %and3A_40 = arith.andi %ne3A_39, %ne3A_32 : vector<64x512xi1>
    %add3A = vector.broadcast %select_n3A_27 : i32 to vector<64x512xi32>
    %add3A_41 = arith.addi %rem3A_29, %add3A : vector<64x512xi32>
    %select_n3A_42 = arith.select %and3A_40, %add3A_41, %rem3A_29 : vector<64x512xi1>, vector<64x512xi32>
    %jit3A_43 = arith.constant 8 : i32
    %div3A_44 = vector.broadcast %jit3A_43 : i32 to vector<64x512xi32>
    %div3A_45 = arith.divsi %select_n3A_42, %div3A_44 : vector<64x512xi32>
    %sign3A_46 = arith.constant 0 : i32
    %sign3A_47 = vector.broadcast %sign3A_46 : i32 to vector<64x512xi32>
    %sign3A_48 = arith.cmpi sgt, %select_n3A_42, %sign3A_47 : vector<64x512xi32>
    %sign3A_49 = arith.extui %sign3A_48 : vector<64x512xi1> to vector<64x512xi32>
    %sign3A_50 = arith.constant 0 : i32
    %sign3A_51 = vector.broadcast %sign3A_50 : i32 to vector<64x512xi32>
    %sign3A_52 = arith.cmpi slt, %select_n3A_42, %sign3A_51 : vector<64x512xi32>
    %sign3A_53 = arith.extui %sign3A_52 : vector<64x512xi1> to vector<64x512xi32>
    %sign3A_54 = arith.subi %sign3A_49, %sign3A_53 : vector<64x512xi32>
    %sign3A_55 = arith.constant 0 : i32
    %sign3A_56 = arith.cmpi sgt, %jit3A_43, %sign3A_55 : i32
    %sign3A_57 = arith.extui %sign3A_56 : i1 to i32
    %sign3A_58 = arith.constant 0 : i32
    %sign3A_59 = arith.cmpi slt, %jit3A_43, %sign3A_58 : i32
    %sign3A_60 = arith.extui %sign3A_59 : i1 to i32
    %sign3A_61 = arith.subi %sign3A_57, %sign3A_60 : i32
    %ne3A_62 = vector.broadcast %sign3A_61 : i32 to vector<64x512xi32>
    %ne3A_63 = arith.cmpi ne, %sign3A_54, %ne3A_62 : vector<64x512xi32>
    %rem3A_64 = vector.broadcast %jit3A_43 : i32 to vector<64x512xi32>
    %rem3A_65 = arith.remsi %select_n3A_42, %rem3A_64 : vector<64x512xi32>
    %ne3A_66 = arith.constant 0 : i32
    %ne3A_67 = vector.broadcast %ne3A_66 : i32 to vector<64x512xi32>
    %ne3A_68 = arith.cmpi ne, %rem3A_65, %ne3A_67 : vector<64x512xi32>
    %and3A_69 = arith.andi %ne3A_63, %ne3A_68 : vector<64x512xi1>
    %sub3A_70 = arith.constant 1 : i32
    %sub3A_71 = vector.broadcast %sub3A_70 : i32 to vector<64x512xi32>
    %sub3A_72 = arith.subi %div3A_45, %sub3A_71 : vector<64x512xi32>
    %select_n3A_73 = arith.select %and3A_69, %sub3A_72, %div3A_45 : vector<64x512xi1>, vector<64x512xi32>
    %jit3A_74 = arith.constant 8 : i32
    %eq3A_75 = arith.constant 0 : i32
    %eq3A_76 = arith.cmpi eq, %jit3A_74, %eq3A_75 : i32
    %jit3A_77 = arith.constant 1 : i32
    %select_n3A_78 = arith.select %eq3A_76, %jit3A_77, %jit3A_74 : i32
    %rem3A_79 = vector.broadcast %select_n3A_78 : i32 to vector<64x512xi32>
    %rem3A_80 = arith.remsi %select_n3A_42, %rem3A_79 : vector<64x512xi32>
    %ne3A_81 = arith.constant 0 : i32
    %ne3A_82 = vector.broadcast %ne3A_81 : i32 to vector<64x512xi32>
    %ne3A_83 = arith.cmpi ne, %rem3A_80, %ne3A_82 : vector<64x512xi32>
    %lt3A_84 = arith.constant 0 : i32
    %lt3A_85 = vector.broadcast %lt3A_84 : i32 to vector<64x512xi32>
    %lt3A_86 = arith.cmpi slt, %rem3A_80, %lt3A_85 : vector<64x512xi32>
    %lt3A_87 = arith.constant 0 : i32
    %lt3A_88 = arith.cmpi slt, %select_n3A_78, %lt3A_87 : i32
    %ne3A_89 = vector.broadcast %lt3A_88 : i1 to vector<64x512xi1>
    %ne3A_90 = vector.broadcast %ne3A_89 : vector<64x512xi1> to vector<64x512xi1>
    %ne3A_91 = arith.xori %lt3A_86, %ne3A_90 : vector<64x512xi1>
    %and3A_92 = arith.andi %ne3A_91, %ne3A_83 : vector<64x512xi1>
    %add3A_93 = vector.broadcast %select_n3A_78 : i32 to vector<64x512xi32>
    %add3A_94 = arith.addi %rem3A_80, %add3A_93 : vector<64x512xi32>
    %select_n3A_95 = arith.select %and3A_92, %add3A_94, %rem3A_80 : vector<64x512xi1>, vector<64x512xi32>
    %mul3A = arith.constant 8 : i32
    %mul3A_96 = vector.broadcast %mul3A : i32 to vector<64x512xi32>
    %mul3A_97 = arith.muli %select_n3A_73, %mul3A_96 : vector<64x512xi32>
    %add3A_98 = arith.addi %mul3A_97, %select_n3A : vector<64x512xi32>
    %eq3A_99 = arith.cmpi eq, %iota3A, %add3A_98 : vector<64x512xi32>
    %jit3A_100 = arith.constant 1.000000e+00 : f32
    %jit3A_101 = arith.constant 0.000000e+00 : f32
    %broadcast_in_dim3A = vector.broadcast %jit3A_100 : f32 to vector<64x512xf32>
    %broadcast_in_dim3A_102 = vector.broadcast %jit3A_101 : f32 to vector<64x512xf32>
    %select_n3A_103 = arith.select %eq3A_99, %broadcast_in_dim3A, %broadcast_in_dim3A_102 : vector<64x512xi1>, vector<64x512xf32>
    %mul3A_104 = arith.constant 8 : i32
    %mul3A_105 = vector.broadcast %mul3A_104 : i32 to vector<64x512xi32>
    %mul3A_106 = arith.muli %select_n3A, %mul3A_105 : vector<64x512xi32>
    %add3A_107 = arith.addi %mul3A_106, %select_n3A_95 : vector<64x512xi32>
    %eq3A_108 = arith.cmpi eq, %iota3A, %add3A_107 : vector<64x512xi32>
    %jit3A_109 = arith.constant 1.000000e+00 : f32
    %jit3A_110 = arith.constant 0.000000e+00 : f32
    %broadcast_in_dim3A_111 = vector.broadcast %jit3A_109 : f32 to vector<64x512xf32>
    %broadcast_in_dim3A_112 = vector.broadcast %jit3A_110 : f32 to vector<64x512xf32>
    %select_n3A_113 = arith.select %eq3A_108, %broadcast_in_dim3A_111, %broadcast_in_dim3A_112 : vector<64x512xi1>, vector<64x512xf32>
    %eq3A_114 = arith.constant 0 : i32
    %eq3A_115 = arith.cmpi eq, %arg0, %eq3A_114 : i32
    %convert_element_type3A = arith.extui %eq3A_115 : i1 to i32
    %cond3A = arith.constant 0 : i32
    %cond3A_116 = arith.cmpi ne, %convert_element_type3A, %cond3A : i32
    scf.if %cond3A_116 {
      %get3A_1466 = arith.constant 0 : index
      %get3A_1467 = arith.constant 0 : index
      %get3A_1468 = vector.load %arg4[%get3A_1466, %get3A_1467] : memref<2048x64xf32, #tpu.memory_space<vmem>>, vector<2048x64xf32>
      %dot_general3A_1469 = arith.constant dense<0.000000e+00> : vector<2048x512xf32>
      %dot_general3A_1470 = tpu.matmul %get3A_1468, %select_n3A_113, %dot_general3A_1469 {dimension_numbers = #tpu.dot_dimension_numbers<[1], [0], [0], [1], [0, 0, 1, 1], [], []>, transpose_lhs_hint = false} : vector<2048x64xf32>, vector<64x512xf32>, vector<2048x512xf32> -> vector<2048x512xf32>
      %swap3A_1471 = arith.constant 0 : index
      %swap3A_1472 = arith.constant 0 : index
      %swap3A_1473 = vector.load %arg7[%swap3A_1471, %swap3A_1472] : memref<2048x512xf32, #tpu.memory_space<vmem>>, vector<2048x512xf32>
      tpu.vector_store %arg7[%swap3A_1471, %swap3A_1472], %dot_general3A_1470 {strides = array<i32>} : memref<2048x512xf32, #tpu.memory_space<vmem>>, vector<2048x512xf32>,
    } else {
    }
    %get3A = arith.constant 0 : index
    %get3A_117 = arith.constant 0 : index
    %get3A_118 = vector.load %arg7[%get3A, %get3A_117] : memref<2048x512xf32, #tpu.memory_space<vmem>>, vector<2048x512xf32>
    %get3A_119 = arith.constant 0 : index
    %get3A_120 = arith.constant 0 : index
    %get3A_121 = arith.constant 0 : index
    %get3A_122 = vector.load %arg1[%get3A_119, %get3A_120, %get3A_121] : memref<2x1x64xf32, #tpu.memory_space<vmem>>, vector<1x1x64xf32>
    %get3A_123 = vector.shape_cast %get3A_122 : vector<1x1x64xf32> to vector<1x64xf32>
    %dot_general3A = arith.constant dense<0.000000e+00> : vector<1x512xf32>
    %dot_general3A_124 = tpu.matmul %get3A_123, %select_n3A_103, %dot_general3A {dimension_numbers = #tpu.dot_dimension_numbers<[1], [0], [0], [1], [0, 0, 1, 1], [], []>, transpose_lhs_hint = false} : vector<1x64xf32>, vector<64x512xf32>, vector<1x512xf32> -> vector<1x512xf32>
    %mul3A_125 = vector.broadcast %dot_general3A_124 : vector<1x512xf32> to vector<2048x512xf32>
    %mul3A_126 = arith.mulf %mul3A_125, %get3A_118 : vector<2048x512xf32>
    %slice3A = vector.extract_strided_slice %mul3A_126 {offsets = [0, 0], sizes = [2048, 256], strides = [1, 1]} : vector<2048x512xf32> to vector<2048x256xf32>
    %slice3A_127 = vector.extract_strided_slice %mul3A_126 {offsets = [0, 256], sizes = [2048, 256], strides = [1, 1]} : vector<2048x512xf32> to vector<2048x256xf32>
    %add3A_128 = arith.addf %slice3A, %slice3A_127 : vector<2048x256xf32>
    %slice3A_129 = vector.extract_strided_slice %add3A_128 {offsets = [0, 0], sizes = [2048, 128], strides = [1, 1]} : vector<2048x256xf32> to vector<2048x128xf32>
    %slice3A_130 = vector.extract_strided_slice %add3A_128 {offsets = [0, 128], sizes = [2048, 128], strides = [1, 1]} : vector<2048x256xf32> to vector<2048x128xf32>
    %add3A_131 = arith.addf %slice3A_129, %slice3A_130 : vector<2048x128xf32>
    %slice3A_132 = vector.extract_strided_slice %add3A_131 {offsets = [0, 0], sizes = [2048, 64], strides = [1, 1]} : vector<2048x128xf32> to vector<2048x64xf32>
    %slice3A_133 = vector.extract_strided_slice %add3A_131 {offsets = [0, 64], sizes = [2048, 64], strides = [1, 1]} : vector<2048x128xf32> to vector<2048x64xf32>
    %add3A_134 = arith.addf %slice3A_132, %slice3A_133 : vector<2048x64xf32>
    %get3A_135 = arith.constant 0 : index
    %get3A_136 = arith.constant 0 : index
    %get3A_137 = arith.constant 0 : index
    %get3A_138 = vector.load %arg3[%get3A_135, %get3A_136, %get3A_137] : memref<2x2048x64xf32, #tpu.memory_space<vmem>>, vector<1x128x64xf32>
    %get3A_139 = vector.shape_cast %get3A_138 : vector<1x128x64xf32> to vector<128x64xf32>
    %mul3A_140 = arith.constant 2 : i32
    %mul3A_141 = arith.muli %arg0, %mul3A_140 : i32
    %add3A_142 = arith.constant 0 : i32
    %add3A_143 = arith.addi %mul3A_141, %add3A_142 : i32
    %get3A_144 = arith.index_cast %add3A_143 : i32 to index
    %get3A_145 = arith.constant 0 : index
    %get3A_146 = arith.constant 0 : index
    %get3A_147 = memref.load %arg5[%get3A_144, %get3A_145, %get3A_146] : memref<32x1x16xf32, #tpu.memory_space<smem>>
    %mul3A_148 = vector.broadcast %get3A_147 : f32 to vector<128x64xf32>
    %mul3A_149 = arith.mulf %get3A_139, %mul3A_148 : vector<128x64xf32>
    %get3A_150 = arith.constant 0 : index
    %get3A_151 = arith.constant 0 : index
    %get3A_152 = arith.constant 0 : index
    %get3A_153 = vector.load %arg2[%get3A_150, %get3A_151, %get3A_152] : memref<2x2048x64xf32, #tpu.memory_space<vmem>>, vector<1x128x64xf32>
    %get3A_154 = vector.shape_cast %get3A_153 : vector<1x128x64xf32> to vector<128x64xf32>
    %concatenate3A = tpu.concatenate %mul3A_149, %get3A_154 in 0 : vector<128x64xf32>, vector<128x64xf32> -> vector<256x64xf32>
    %slice3A_155 = vector.extract_strided_slice %add3A_134 {offsets = [0, 0], sizes = [128, 64], strides = [1, 1]} : vector<2048x64xf32> to vector<128x64xf32>
    %dot_general3A_156 = arith.constant dense<0.000000e+00> : vector<128x256xf32>
    %dot_general3A_157 = tpu.matmul %slice3A_155, %concatenate3A, %dot_general3A_156 {dimension_numbers = #tpu.dot_dimension_numbers<[1], [1], [0], [0], [0, 0, 1, 0], [], []>, transpose_lhs_hint = false} : vector<128x64xf32>, vector<256x64xf32>, vector<128x256xf32> -> vector<128x256xf32>
    %mul3A_158 = arith.constant 1.250000e-01 : f32
    %mul3A_159 = vector.broadcast %mul3A_158 : f32 to vector<128x256xf32>
    %mul3A_160 = arith.mulf %dot_general3A_157, %mul3A_159 : vector<128x256xf32>
    %reduce_max3A = arith.constant dense<0xFF800000> : vector<128xf32>
    %reduce_max3A_161 = vector.multi_reduction <maximumf>, %mul3A_160, %reduce_max3A [1] : vector<128x256xf32> to vector<128xf32>
    %broadcast_in_dim3A_162 = vector.shape_cast %reduce_max3A_161 : vector<128xf32> to vector<128x1xf32>
    %sub3A_163 = vector.broadcast %broadcast_in_dim3A_162 : vector<128x1xf32> to vector<128x256xf32>
    %sub3A_164 = arith.subf %mul3A_160, %sub3A_163 : vector<128x256xf32>
    %exp3A = math.exp %sub3A_164 : vector<128x256xf32>
    %reduce_sum3A = arith.constant dense<0.000000e+00> : vector<128xf32>
    %reduce_sum3A_165 = vector.multi_reduction <add>, %exp3A, %reduce_sum3A [1] : vector<128x256xf32> to vector<128xf32>
    %broadcast_in_dim3A_166 = vector.shape_cast %reduce_sum3A_165 : vector<128xf32> to vector<128x1xf32>
    %div3A_167 = vector.broadcast %broadcast_in_dim3A_166 : vector<128x1xf32> to vector<128x256xf32>
    %div3A_168 = arith.divf %exp3A, %div3A_167 : vector<128x256xf32>
    %dot_general3A_169 = arith.constant dense<0.000000e+00> : vector<128x64xf32>
    %dot_general3A_170 = tpu.matmul %div3A_168, %concatenate3A, %dot_general3A_169 {dimension_numbers = #tpu.dot_dimension_numbers<[1], [0], [0], [1], [0, 0, 1, 1], [], []>, transpose_lhs_hint = false} : vector<128x256xf32>, vector<256x64xf32>, vector<128x64xf32> -> vector<128x64xf32>
    %get3A_171 = arith.constant 0 : index
    %get3A_172 = arith.constant 128 : index
    %get3A_173 = arith.constant 0 : index
    %get3A_174 = vector.load %arg3[%get3A_171, %get3A_172, %get3A_173] : memref<2x2048x64xf32, #tpu.memory_space<vmem>>, vector<1x128x64xf32>
    %get3A_175 = vector.shape_cast %get3A_174 : vector<1x128x64xf32> to vector<128x64xf32>
    %mul3A_176 = arith.constant 2 : i32
    %mul3A_177 = arith.muli %arg0, %mul3A_176 : i32
    %add3A_178 = arith.constant 0 : i32
    %add3A_179 = arith.addi %mul3A_177, %add3A_178 : i32
    %get3A_180 = arith.index_cast %add3A_179 : i32 to index
    %get3A_181 = arith.constant 0 : index
    %get3A_182 = arith.constant 1 : index
    %get3A_183 = memref.load %arg5[%get3A_180, %get3A_181, %get3A_182] : memref<32x1x16xf32, #tpu.memory_space<smem>>
    %mul3A_184 = vector.broadcast %get3A_183 : f32 to vector<128x64xf32>
    %mul3A_185 = arith.mulf %get3A_175, %mul3A_184 : vector<128x64xf32>
    %get3A_186 = arith.constant 0 : index
    %get3A_187 = arith.constant 128 : index
    %get3A_188 = arith.constant 0 : index
    %get3A_189 = vector.load %arg2[%get3A_186, %get3A_187, %get3A_188] : memref<2x2048x64xf32, #tpu.memory_space<vmem>>, vector<1x128x64xf32>
    %get3A_190 = vector.shape_cast %get3A_189 : vector<1x128x64xf32> to vector<128x64xf32>
    %concatenate3A_191 = tpu.concatenate %mul3A_185, %get3A_190 in 0 : vector<128x64xf32>, vector<128x64xf32> -> vector<256x64xf32>
    %slice3A_192 = vector.extract_strided_slice %add3A_134 {offsets = [128, 0], sizes = [128, 64], strides = [1, 1]} : vector<2048x64xf32> to vector<128x64xf32>
    %dot_general3A_193 = arith.constant dense<0.000000e+00> : vector<128x256xf32>
    %dot_general3A_194 = tpu.matmul %slice3A_192, %concatenate3A_191, %dot_general3A_193 {dimension_numbers = #tpu.dot_dimension_numbers<[1], [1], [0], [0], [0, 0, 1, 0], [], []>, transpose_lhs_hint = false} : vector<128x64xf32>, vector<256x64xf32>, vector<128x256xf32> -> vector<128x256xf32>
    %mul3A_195 = arith.constant 1.250000e-01 : f32
    %mul3A_196 = vector.broadcast %mul3A_195 : f32 to vector<128x256xf32>
    %mul3A_197 = arith.mulf %dot_general3A_194, %mul3A_196 : vector<128x256xf32>
    %reduce_max3A_198 = arith.constant dense<0xFF800000> : vector<128xf32>
    %reduce_max3A_199 = vector.multi_reduction <maximumf>, %mul3A_197, %reduce_max3A_198 [1] : vector<128x256xf32> to vector<128xf32>
    %broadcast_in_dim3A_200 = vector.shape_cast %reduce_max3A_199 : vector<128xf32> to vector<128x1xf32>
    %sub3A_201 = vector.broadcast %broadcast_in_dim3A_200 : vector<128x1xf32> to vector<128x256xf32>
    %sub3A_202 = arith.subf %mul3A_197, %sub3A_201 : vector<128x256xf32>
    %exp3A_203 = math.exp %sub3A_202 : vector<128x256xf32>
    %reduce_sum3A_204 = arith.constant dense<0.000000e+00> : vector<128xf32>
    %reduce_sum3A_205 = vector.multi_reduction <add>, %exp3A_203, %reduce_sum3A_204 [1] : vector<128x256xf32> to vector<128xf32>
    %broadcast_in_dim3A_206 = vector.shape_cast %reduce_sum3A_205 : vector<128xf32> to vector<128x1xf32>
    %div3A_207 = vector.broadcast %broadcast_in_dim3A_206 : vector<128x1xf32> to vector<128x256xf32>
    %div3A_208 = arith.divf %exp3A_203, %div3A_207 : vector<128x256xf32>
    %dot_general3A_209 = arith.constant dense<0.000000e+00> : vector<128x64xf32>
    %dot_general3A_210 = tpu.matmul %div3A_208, %concatenate3A_191, %dot_general3A_209 {dimension_numbers = #tpu.dot_dimension_numbers<[1], [0], [0], [1], [0, 0, 1, 1], [], []>, transpose_lhs_hint = false} : vector<128x256xf32>, vector<256x64xf32>, vector<128x64xf32> -> vector<128x64xf32>
    %get3A_211 = arith.constant 0 : index
    %get3A_212 = arith.constant 256 : index
    %get3A_213 = arith.constant 0 : index
    %get3A_214 = vector.load %arg3[%get3A_211, %get3A_212, %get3A_213] : memref<2x2048x64xf32, #tpu.memory_space<vmem>>, vector<1x128x64xf32>
    %get3A_215 = vector.shape_cast %get3A_214 : vector<1x128x64xf32> to vector<128x64xf32>
    %mul3A_216 = arith.constant 2 : i32
    %mul3A_217 = arith.muli %arg0, %mul3A_216 : i32
    %add3A_218 = arith.constant 0 : i32
    %add3A_219 = arith.addi %mul3A_217, %add3A_218 : i32
    %get3A_220 = arith.index_cast %add3A_219 : i32 to index
    %get3A_221 = arith.constant 0 : index
    %get3A_222 = arith.constant 2 : index
    %get3A_223 = memref.load %arg5[%get3A_220, %get3A_221, %get3A_222] : memref<32x1x16xf32, #tpu.memory_space<smem>>
    %mul3A_224 = vector.broadcast %get3A_223 : f32 to vector<128x64xf32>
    %mul3A_225 = arith.mulf %get3A_215, %mul3A_224 : vector<128x64xf32>
    %get3A_226 = arith.constant 0 : index
    %get3A_227 = arith.constant 256 : index
    %get3A_228 = arith.constant 0 : index
    %get3A_229 = vector.load %arg2[%get3A_226, %get3A_227, %get3A_228] : memref<2x2048x64xf32, #tpu.memory_space<vmem>>, vector<1x128x64xf32>
    %get3A_230 = vector.shape_cast %get3A_229 : vector<1x128x64xf32> to vector<128x64xf32>
    %concatenate3A_231 = tpu.concatenate %mul3A_225, %get3A_230 in 0 : vector<128x64xf32>, vector<128x64xf32> -> vector<256x64xf32>
    %slice3A_232 = vector.extract_strided_slice %add3A_134 {offsets = [256, 0], sizes = [128, 64], strides = [1, 1]} : vector<2048x64xf32> to vector<128x64xf32>
    %dot_general3A_233 = arith.constant dense<0.000000e+00> : vector<128x256xf32>
    %dot_general3A_234 = tpu.matmul %slice3A_232, %concatenate3A_231, %dot_general3A_233 {dimension_numbers = #tpu.dot_dimension_numbers<[1], [1], [0], [0], [0, 0, 1, 0], [], []>, transpose_lhs_hint = false} : vector<128x64xf32>, vector<256x64xf32>, vector<128x256xf32> -> vector<128x256xf32>
    %mul3A_235 = arith.constant 1.250000e-01 : f32
    %mul3A_236 = vector.broadcast %mul3A_235 : f32 to vector<128x256xf32>
    %mul3A_237 = arith.mulf %dot_general3A_234, %mul3A_236 : vector<128x256xf32>
    %reduce_max3A_238 = arith.constant dense<0xFF800000> : vector<128xf32>
    %reduce_max3A_239 = vector.multi_reduction <maximumf>, %mul3A_237, %reduce_max3A_238 [1] : vector<128x256xf32> to vector<128xf32>
    %broadcast_in_dim3A_240 = vector.shape_cast %reduce_max3A_239 : vector<128xf32> to vector<128x1xf32>
    %sub3A_241 = vector.broadcast %broadcast_in_dim3A_240 : vector<128x1xf32> to vector<128x256xf32>
    %sub3A_242 = arith.subf %mul3A_237, %sub3A_241 : vector<128x256xf32>
    %exp3A_243 = math.exp %sub3A_242 : vector<128x256xf32>
    %reduce_sum3A_244 = arith.constant dense<0.000000e+00> : vector<128xf32>
    %reduce_sum3A_245 = vector.multi_reduction <add>, %exp3A_243, %reduce_sum3A_244 [1] : vector<128x256xf32> to vector<128xf32>
    %broadcast_in_dim3A_246 = vector.shape_cast %reduce_sum3A_245 : vector<128xf32> to vector<128x1xf32>
    %div3A_247 = vector.broadcast %broadcast_in_dim3A_246 : vector<128x1xf32> to vector<128x256xf32>
    %div3A_248 = arith.divf %exp3A_243, %div3A_247 : vector<128x256xf32>
    %dot_general3A_249 = arith.constant dense<0.000000e+00> : vector<128x64xf32>
    %dot_general3A_250 = tpu.matmul %div3A_248, %concatenate3A_231, %dot_general3A_249 {dimension_numbers = #tpu.dot_dimension_numbers<[1], [0], [0], [1], [0, 0, 1, 1], [], []>, transpose_lhs_hint = false} : vector<128x256xf32>, vector<256x64xf32>, vector<128x64xf32> -> vector<128x64xf32>
    %get3A_251 = arith.constant 0 : index
    %get3A_252 = arith.constant 384 : index
    %get3A_253 = arith.constant 0 : index
    %get3A_254 = vector.load %arg3[%get3A_251, %get3A_252, %get3A_253] : memref<2x2048x64xf32, #tpu.memory_space<vmem>>, vector<1x128x64xf32>
    %get3A_255 = vector.shape_cast %get3A_254 : vector<1x128x64xf32> to vector<128x64xf32>
    %mul3A_256 = arith.constant 2 : i32
    %mul3A_257 = arith.muli %arg0, %mul3A_256 : i32
    %add3A_258 = arith.constant 0 : i32
    %add3A_259 = arith.addi %mul3A_257, %add3A_258 : i32
    %get3A_260 = arith.index_cast %add3A_259 : i32 to index
    %get3A_261 = arith.constant 0 : index
    %get3A_262 = arith.constant 3 : index
    %get3A_263 = memref.load %arg5[%get3A_260, %get3A_261, %get3A_262] : memref<32x1x16xf32, #tpu.memory_space<smem>>
    %mul3A_264 = vector.broadcast %get3A_263 : f32 to vector<128x64xf32>
    %mul3A_265 = arith.mulf %get3A_255, %mul3A_264 : vector<128x64xf32>
    %get3A_266 = arith.constant 0 : index
    %get3A_267 = arith.constant 384 : index
    %get3A_268 = arith.constant 0 : index
    %get3A_269 = vector.load %arg2[%get3A_266, %get3A_267, %get3A_268] : memref<2x2048x64xf32, #tpu.memory_space<vmem>>, vector<1x128x64xf32>
    %get3A_270 = vector.shape_cast %get3A_269 : vector<1x128x64xf32> to vector<128x64xf32>
    %concatenate3A_271 = tpu.concatenate %mul3A_265, %get3A_270 in 0 : vector<128x64xf32>, vector<128x64xf32> -> vector<256x64xf32>
    %slice3A_272 = vector.extract_strided_slice %add3A_134 {offsets = [384, 0], sizes = [128, 64], strides = [1, 1]} : vector<2048x64xf32> to vector<128x64xf32>
    %dot_general3A_273 = arith.constant dense<0.000000e+00> : vector<128x256xf32>
    %dot_general3A_274 = tpu.matmul %slice3A_272, %concatenate3A_271, %dot_general3A_273 {dimension_numbers = #tpu.dot_dimension_numbers<[1], [1], [0], [0], [0, 0, 1, 0], [], []>, transpose_lhs_hint = false} : vector<128x64xf32>, vector<256x64xf32>, vector<128x256xf32> -> vector<128x256xf32>
    %mul3A_275 = arith.constant 1.250000e-01 : f32
    %mul3A_276 = vector.broadcast %mul3A_275 : f32 to vector<128x256xf32>
    %mul3A_277 = arith.mulf %dot_general3A_274, %mul3A_276 : vector<128x256xf32>
    %reduce_max3A_278 = arith.constant dense<0xFF800000> : vector<128xf32>
    %reduce_max3A_279 = vector.multi_reduction <maximumf>, %mul3A_277, %reduce_max3A_278 [1] : vector<128x256xf32> to vector<128xf32>
    %broadcast_in_dim3A_280 = vector.shape_cast %reduce_max3A_279 : vector<128xf32> to vector<128x1xf32>
    %sub3A_281 = vector.broadcast %broadcast_in_dim3A_280 : vector<128x1xf32> to vector<128x256xf32>
    %sub3A_282 = arith.subf %mul3A_277, %sub3A_281 : vector<128x256xf32>
    %exp3A_283 = math.exp %sub3A_282 : vector<128x256xf32>
    %reduce_sum3A_284 = arith.constant dense<0.000000e+00> : vector<128xf32>
    %reduce_sum3A_285 = vector.multi_reduction <add>, %exp3A_283, %reduce_sum3A_284 [1] : vector<128x256xf32> to vector<128xf32>
    %broadcast_in_dim3A_286 = vector.shape_cast %reduce_sum3A_285 : vector<128xf32> to vector<128x1xf32>
    %div3A_287 = vector.broadcast %broadcast_in_dim3A_286 : vector<128x1xf32> to vector<128x256xf32>
    %div3A_288 = arith.divf %exp3A_283, %div3A_287 : vector<128x256xf32>
    %dot_general3A_289 = arith.constant dense<0.000000e+00> : vector<128x64xf32>
    %dot_general3A_290 = tpu.matmul %div3A_288, %concatenate3A_271, %dot_general3A_289 {dimension_numbers = #tpu.dot_dimension_numbers<[1], [0], [0], [1], [0, 0, 1, 1], [], []>, transpose_lhs_hint = false} : vector<128x256xf32>, vector<256x64xf32>, vector<128x64xf32> -> vector<128x64xf32>
    %get3A_291 = arith.constant 0 : index
    %get3A_292 = arith.constant 512 : index
    %get3A_293 = arith.constant 0 : index
    %get3A_294 = vector.load %arg3[%get3A_291, %get3A_292, %get3A_293] : memref<2x2048x64xf32, #tpu.memory_space<vmem>>, vector<1x128x64xf32>
    %get3A_295 = vector.shape_cast %get3A_294 : vector<1x128x64xf32> to vector<128x64xf32>
    %mul3A_296 = arith.constant 2 : i32
    %mul3A_297 = arith.muli %arg0, %mul3A_296 : i32
    %add3A_298 = arith.constant 0 : i32
    %add3A_299 = arith.addi %mul3A_297, %add3A_298 : i32
    %get3A_300 = arith.index_cast %add3A_299 : i32 to index
    %get3A_301 = arith.constant 0 : index
    %get3A_302 = arith.constant 4 : index
    %get3A_303 = memref.load %arg5[%get3A_300, %get3A_301, %get3A_302] : memref<32x1x16xf32, #tpu.memory_space<smem>>
    %mul3A_304 = vector.broadcast %get3A_303 : f32 to vector<128x64xf32>
    %mul3A_305 = arith.mulf %get3A_295, %mul3A_304 : vector<128x64xf32>
    %get3A_306 = arith.constant 0 : index
    %get3A_307 = arith.constant 512 : index
    %get3A_308 = arith.constant 0 : index
    %get3A_309 = vector.load %arg2[%get3A_306, %get3A_307, %get3A_308] : memref<2x2048x64xf32, #tpu.memory_space<vmem>>, vector<1x128x64xf32>
    %get3A_310 = vector.shape_cast %get3A_309 : vector<1x128x64xf32> to vector<128x64xf32>
    %concatenate3A_311 = tpu.concatenate %mul3A_305, %get3A_310 in 0 : vector<128x64xf32>, vector<128x64xf32> -> vector<256x64xf32>
    %slice3A_312 = vector.extract_strided_slice %add3A_134 {offsets = [512, 0], sizes = [128, 64], strides = [1, 1]} : vector<2048x64xf32> to vector<128x64xf32>
    %dot_general3A_313 = arith.constant dense<0.000000e+00> : vector<128x256xf32>
    %dot_general3A_314 = tpu.matmul %slice3A_312, %concatenate3A_311, %dot_general3A_313 {dimension_numbers = #tpu.dot_dimension_numbers<[1], [1], [0], [0], [0, 0, 1, 0], [], []>, transpose_lhs_hint = false} : vector<128x64xf32>, vector<256x64xf32>, vector<128x256xf32> -> vector<128x256xf32>
    %mul3A_315 = arith.constant 1.250000e-01 : f32
    %mul3A_316 = vector.broadcast %mul3A_315 : f32 to vector<128x256xf32>
    %mul3A_317 = arith.mulf %dot_general3A_314, %mul3A_316 : vector<128x256xf32>
    %reduce_max3A_318 = arith.constant dense<0xFF800000> : vector<128xf32>
    %reduce_max3A_319 = vector.multi_reduction <maximumf>, %mul3A_317, %reduce_max3A_318 [1] : vector<128x256xf32> to vector<128xf32>
    %broadcast_in_dim3A_320 = vector.shape_cast %reduce_max3A_319 : vector<128xf32> to vector<128x1xf32>
    %sub3A_321 = vector.broadcast %broadcast_in_dim3A_320 : vector<128x1xf32> to vector<128x256xf32>
    %sub3A_322 = arith.subf %mul3A_317, %sub3A_321 : vector<128x256xf32>
    %exp3A_323 = math.exp %sub3A_322 : vector<128x256xf32>
    %reduce_sum3A_324 = arith.constant dense<0.000000e+00> : vector<128xf32>
    %reduce_sum3A_325 = vector.multi_reduction <add>, %exp3A_323, %reduce_sum3A_324 [1] : vector<128x256xf32> to vector<128xf32>
    %broadcast_in_dim3A_326 = vector.shape_cast %reduce_sum3A_325 : vector<128xf32> to vector<128x1xf32>
    %div3A_327 = vector.broadcast %broadcast_in_dim3A_326 : vector<128x1xf32> to vector<128x256xf32>
    %div3A_328 = arith.divf %exp3A_323, %div3A_327 : vector<128x256xf32>
    %dot_general3A_329 = arith.constant dense<0.000000e+00> : vector<128x64xf32>
    %dot_general3A_330 = tpu.matmul %div3A_328, %concatenate3A_311, %dot_general3A_329 {dimension_numbers = #tpu.dot_dimension_numbers<[1], [0], [0], [1], [0, 0, 1, 1], [], []>, transpose_lhs_hint = false} : vector<128x256xf32>, vector<256x64xf32>, vector<128x64xf32> -> vector<128x64xf32>
    %get3A_331 = arith.constant 0 : index
    %get3A_332 = arith.constant 640 : index
    %get3A_333 = arith.constant 0 : index
    %get3A_334 = vector.load %arg3[%get3A_331, %get3A_332, %get3A_333] : memref<2x2048x64xf32, #tpu.memory_space<vmem>>, vector<1x128x64xf32>
    %get3A_335 = vector.shape_cast %get3A_334 : vector<1x128x64xf32> to vector<128x64xf32>
    %mul3A_336 = arith.constant 2 : i32
    %mul3A_337 = arith.muli %arg0, %mul3A_336 : i32
    %add3A_338 = arith.constant 0 : i32
    %add3A_339 = arith.addi %mul3A_337, %add3A_338 : i32
    %get3A_340 = arith.index_cast %add3A_339 : i32 to index
    %get3A_341 = arith.constant 0 : index
    %get3A_342 = arith.constant 5 : index
    %get3A_343 = memref.load %arg5[%get3A_340, %get3A_341, %get3A_342] : memref<32x1x16xf32, #tpu.memory_space<smem>>
    %mul3A_344 = vector.broadcast %get3A_343 : f32 to vector<128x64xf32>
    %mul3A_345 = arith.mulf %get3A_335, %mul3A_344 : vector<128x64xf32>
    %get3A_346 = arith.constant 0 : index
    %get3A_347 = arith.constant 640 : index
    %get3A_348 = arith.constant 0 : index
    %get3A_349 = vector.load %arg2[%get3A_346, %get3A_347, %get3A_348] : memref<2x2048x64xf32, #tpu.memory_space<vmem>>, vector<1x128x64xf32>
    %get3A_350 = vector.shape_cast %get3A_349 : vector<1x128x64xf32> to vector<128x64xf32>
    %concatenate3A_351 = tpu.concatenate %mul3A_345, %get3A_350 in 0 : vector<128x64xf32>, vector<128x64xf32> -> vector<256x64xf32>
    %slice3A_352 = vector.extract_strided_slice %add3A_134 {offsets = [640, 0], sizes = [128, 64], strides = [1, 1]} : vector<2048x64xf32> to vector<128x64xf32>
    %dot_general3A_353 = arith.constant dense<0.000000e+00> : vector<128x256xf32>
    %dot_general3A_354 = tpu.matmul %slice3A_352, %concatenate3A_351, %dot_general3A_353 {dimension_numbers = #tpu.dot_dimension_numbers<[1], [1], [0], [0], [0, 0, 1, 0], [], []>, transpose_lhs_hint = false} : vector<128x64xf32>, vector<256x64xf32>, vector<128x256xf32> -> vector<128x256xf32>
    %mul3A_355 = arith.constant 1.250000e-01 : f32
    %mul3A_356 = vector.broadcast %mul3A_355 : f32 to vector<128x256xf32>
    %mul3A_357 = arith.mulf %dot_general3A_354, %mul3A_356 : vector<128x256xf32>
    %reduce_max3A_358 = arith.constant dense<0xFF800000> : vector<128xf32>
    %reduce_max3A_359 = vector.multi_reduction <maximumf>, %mul3A_357, %reduce_max3A_358 [1] : vector<128x256xf32> to vector<128xf32>
    %broadcast_in_dim3A_360 = vector.shape_cast %reduce_max3A_359 : vector<128xf32> to vector<128x1xf32>
    %sub3A_361 = vector.broadcast %broadcast_in_dim3A_360 : vector<128x1xf32> to vector<128x256xf32>
    %sub3A_362 = arith.subf %mul3A_357, %sub3A_361 : vector<128x256xf32>
    %exp3A_363 = math.exp %sub3A_362 : vector<128x256xf32>
    %reduce_sum3A_364 = arith.constant dense<0.000000e+00> : vector<128xf32>
    %reduce_sum3A_365 = vector.multi_reduction <add>, %exp3A_363, %reduce_sum3A_364 [1] : vector<128x256xf32> to vector<128xf32>
    %broadcast_in_dim3A_366 = vector.shape_cast %reduce_sum3A_365 : vector<128xf32> to vector<128x1xf32>
    %div3A_367 = vector.broadcast %broadcast_in_dim3A_366 : vector<128x1xf32> to vector<128x256xf32>
    %div3A_368 = arith.divf %exp3A_363, %div3A_367 : vector<128x256xf32>
    %dot_general3A_369 = arith.constant dense<0.000000e+00> : vector<128x64xf32>
    %dot_general3A_370 = tpu.matmul %div3A_368, %concatenate3A_351, %dot_general3A_369 {dimension_numbers = #tpu.dot_dimension_numbers<[1], [0], [0], [1], [0, 0, 1, 1], [], []>, transpose_lhs_hint = false} : vector<128x256xf32>, vector<256x64xf32>, vector<128x64xf32> -> vector<128x64xf32>
    %get3A_371 = arith.constant 0 : index
    %get3A_372 = arith.constant 768 : index
    %get3A_373 = arith.constant 0 : index
    %get3A_374 = vector.load %arg3[%get3A_371, %get3A_372, %get3A_373] : memref<2x2048x64xf32, #tpu.memory_space<vmem>>, vector<1x128x64xf32>
    %get3A_375 = vector.shape_cast %get3A_374 : vector<1x128x64xf32> to vector<128x64xf32>
    %mul3A_376 = arith.constant 2 : i32
    %mul3A_377 = arith.muli %arg0, %mul3A_376 : i32
    %add3A_378 = arith.constant 0 : i32
    %add3A_379 = arith.addi %mul3A_377, %add3A_378 : i32
    %get3A_380 = arith.index_cast %add3A_379 : i32 to index
    %get3A_381 = arith.constant 0 : index
    %get3A_382 = arith.constant 6 : index
    %get3A_383 = memref.load %arg5[%get3A_380, %get3A_381, %get3A_382] : memref<32x1x16xf32, #tpu.memory_space<smem>>
    %mul3A_384 = vector.broadcast %get3A_383 : f32 to vector<128x64xf32>
    %mul3A_385 = arith.mulf %get3A_375, %mul3A_384 : vector<128x64xf32>
    %get3A_386 = arith.constant 0 : index
    %get3A_387 = arith.constant 768 : index
    %get3A_388 = arith.constant 0 : index
    %get3A_389 = vector.load %arg2[%get3A_386, %get3A_387, %get3A_388] : memref<2x2048x64xf32, #tpu.memory_space<vmem>>, vector<1x128x64xf32>
    %get3A_390 = vector.shape_cast %get3A_389 : vector<1x128x64xf32> to vector<128x64xf32>
    %concatenate3A_391 = tpu.concatenate %mul3A_385, %get3A_390 in 0 : vector<128x64xf32>, vector<128x64xf32> -> vector<256x64xf32>
    %slice3A_392 = vector.extract_strided_slice %add3A_134 {offsets = [768, 0], sizes = [128, 64], strides = [1, 1]} : vector<2048x64xf32> to vector<128x64xf32>
    %dot_general3A_393 = arith.constant dense<0.000000e+00> : vector<128x256xf32>
    %dot_general3A_394 = tpu.matmul %slice3A_392, %concatenate3A_391, %dot_general3A_393 {dimension_numbers = #tpu.dot_dimension_numbers<[1], [1], [0], [0], [0, 0, 1, 0], [], []>, transpose_lhs_hint = false} : vector<128x64xf32>, vector<256x64xf32>, vector<128x256xf32> -> vector<128x256xf32>
    %mul3A_395 = arith.constant 1.250000e-01 : f32
    %mul3A_396 = vector.broadcast %mul3A_395 : f32 to vector<128x256xf32>
    %mul3A_397 = arith.mulf %dot_general3A_394, %mul3A_396 : vector<128x256xf32>
    %reduce_max3A_398 = arith.constant dense<0xFF800000> : vector<128xf32>
    %reduce_max3A_399 = vector.multi_reduction <maximumf>, %mul3A_397, %reduce_max3A_398 [1] : vector<128x256xf32> to vector<128xf32>
    %broadcast_in_dim3A_400 = vector.shape_cast %reduce_max3A_399 : vector<128xf32> to vector<128x1xf32>
    %sub3A_401 = vector.broadcast %broadcast_in_dim3A_400 : vector<128x1xf32> to vector<128x256xf32>
    %sub3A_402 = arith.subf %mul3A_397, %sub3A_401 : vector<128x256xf32>
    %exp3A_403 = math.exp %sub3A_402 : vector<128x256xf32>
    %reduce_sum3A_404 = arith.constant dense<0.000000e+00> : vector<128xf32>
    %reduce_sum3A_405 = vector.multi_reduction <add>, %exp3A_403, %reduce_sum3A_404 [1] : vector<128x256xf32> to vector<128xf32>
    %broadcast_in_dim3A_406 = vector.shape_cast %reduce_sum3A_405 : vector<128xf32> to vector<128x1xf32>
    %div3A_407 = vector.broadcast %broadcast_in_dim3A_406 : vector<128x1xf32> to vector<128x256xf32>
    %div3A_408 = arith.divf %exp3A_403, %div3A_407 : vector<128x256xf32>
    %dot_general3A_409 = arith.constant dense<0.000000e+00> : vector<128x64xf32>
    %dot_general3A_410 = tpu.matmul %div3A_408, %concatenate3A_391, %dot_general3A_409 {dimension_numbers = #tpu.dot_dimension_numbers<[1], [0], [0], [1], [0, 0, 1, 1], [], []>, transpose_lhs_hint = false} : vector<128x256xf32>, vector<256x64xf32>, vector<128x64xf32> -> vector<128x64xf32>
    %get3A_411 = arith.constant 0 : index
    %get3A_412 = arith.constant 896 : index
    %get3A_413 = arith.constant 0 : index
    %get3A_414 = vector.load %arg3[%get3A_411, %get3A_412, %get3A_413] : memref<2x2048x64xf32, #tpu.memory_space<vmem>>, vector<1x128x64xf32>
    %get3A_415 = vector.shape_cast %get3A_414 : vector<1x128x64xf32> to vector<128x64xf32>
    %mul3A_416 = arith.constant 2 : i32
    %mul3A_417 = arith.muli %arg0, %mul3A_416 : i32
    %add3A_418 = arith.constant 0 : i32
    %add3A_419 = arith.addi %mul3A_417, %add3A_418 : i32
    %get3A_420 = arith.index_cast %add3A_419 : i32 to index
    %get3A_421 = arith.constant 0 : index
    %get3A_422 = arith.constant 7 : index
    %get3A_423 = memref.load %arg5[%get3A_420, %get3A_421, %get3A_422] : memref<32x1x16xf32, #tpu.memory_space<smem>>
    %mul3A_424 = vector.broadcast %get3A_423 : f32 to vector<128x64xf32>
    %mul3A_425 = arith.mulf %get3A_415, %mul3A_424 : vector<128x64xf32>
    %get3A_426 = arith.constant 0 : index
    %get3A_427 = arith.constant 896 : index
    %get3A_428 = arith.constant 0 : index
    %get3A_429 = vector.load %arg2[%get3A_426, %get3A_427, %get3A_428] : memref<2x2048x64xf32, #tpu.memory_space<vmem>>, vector<1x128x64xf32>
    %get3A_430 = vector.shape_cast %get3A_429 : vector<1x128x64xf32> to vector<128x64xf32>
    %concatenate3A_431 = tpu.concatenate %mul3A_425, %get3A_430 in 0 : vector<128x64xf32>, vector<128x64xf32> -> vector<256x64xf32>
    %slice3A_432 = vector.extract_strided_slice %add3A_134 {offsets = [896, 0], sizes = [128, 64], strides = [1, 1]} : vector<2048x64xf32> to vector<128x64xf32>
    %dot_general3A_433 = arith.constant dense<0.000000e+00> : vector<128x256xf32>
    %dot_general3A_434 = tpu.matmul %slice3A_432, %concatenate3A_431, %dot_general3A_433 {dimension_numbers = #tpu.dot_dimension_numbers<[1], [1], [0], [0], [0, 0, 1, 0], [], []>, transpose_lhs_hint = false} : vector<128x64xf32>, vector<256x64xf32>, vector<128x256xf32> -> vector<128x256xf32>
    %mul3A_435 = arith.constant 1.250000e-01 : f32
    %mul3A_436 = vector.broadcast %mul3A_435 : f32 to vector<128x256xf32>
    %mul3A_437 = arith.mulf %dot_general3A_434, %mul3A_436 : vector<128x256xf32>
    %reduce_max3A_438 = arith.constant dense<0xFF800000> : vector<128xf32>
    %reduce_max3A_439 = vector.multi_reduction <maximumf>, %mul3A_437, %reduce_max3A_438 [1] : vector<128x256xf32> to vector<128xf32>
    %broadcast_in_dim3A_440 = vector.shape_cast %reduce_max3A_439 : vector<128xf32> to vector<128x1xf32>
    %sub3A_441 = vector.broadcast %broadcast_in_dim3A_440 : vector<128x1xf32> to vector<128x256xf32>
    %sub3A_442 = arith.subf %mul3A_437, %sub3A_441 : vector<128x256xf32>
    %exp3A_443 = math.exp %sub3A_442 : vector<128x256xf32>
    %reduce_sum3A_444 = arith.constant dense<0.000000e+00> : vector<128xf32>
    %reduce_sum3A_445 = vector.multi_reduction <add>, %exp3A_443, %reduce_sum3A_444 [1] : vector<128x256xf32> to vector<128xf32>
    %broadcast_in_dim3A_446 = vector.shape_cast %reduce_sum3A_445 : vector<128xf32> to vector<128x1xf32>
    %div3A_447 = vector.broadcast %broadcast_in_dim3A_446 : vector<128x1xf32> to vector<128x256xf32>
    %div3A_448 = arith.divf %exp3A_443, %div3A_447 : vector<128x256xf32>
    %dot_general3A_449 = arith.constant dense<0.000000e+00> : vector<128x64xf32>
    %dot_general3A_450 = tpu.matmul %div3A_448, %concatenate3A_431, %dot_general3A_449 {dimension_numbers = #tpu.dot_dimension_numbers<[1], [0], [0], [1], [0, 0, 1, 1], [], []>, transpose_lhs_hint = false} : vector<128x256xf32>, vector<256x64xf32>, vector<128x64xf32> -> vector<128x64xf32>
    %get3A_451 = arith.constant 0 : index
    %get3A_452 = arith.constant 1024 : index
    %get3A_453 = arith.constant 0 : index
    %get3A_454 = vector.load %arg3[%get3A_451, %get3A_452, %get3A_453] : memref<2x2048x64xf32, #tpu.memory_space<vmem>>, vector<1x128x64xf32>
    %get3A_455 = vector.shape_cast %get3A_454 : vector<1x128x64xf32> to vector<128x64xf32>
    %mul3A_456 = arith.constant 2 : i32
    %mul3A_457 = arith.muli %arg0, %mul3A_456 : i32
    %add3A_458 = arith.constant 0 : i32
    %add3A_459 = arith.addi %mul3A_457, %add3A_458 : i32
    %get3A_460 = arith.index_cast %add3A_459 : i32 to index
    %get3A_461 = arith.constant 0 : index
    %get3A_462 = arith.constant 8 : index
    %get3A_463 = memref.load %arg5[%get3A_460, %get3A_461, %get3A_462] : memref<32x1x16xf32, #tpu.memory_space<smem>>
    %mul3A_464 = vector.broadcast %get3A_463 : f32 to vector<128x64xf32>
    %mul3A_465 = arith.mulf %get3A_455, %mul3A_464 : vector<128x64xf32>
    %get3A_466 = arith.constant 0 : index
    %get3A_467 = arith.constant 1024 : index
    %get3A_468 = arith.constant 0 : index
    %get3A_469 = vector.load %arg2[%get3A_466, %get3A_467, %get3A_468] : memref<2x2048x64xf32, #tpu.memory_space<vmem>>, vector<1x128x64xf32>
    %get3A_470 = vector.shape_cast %get3A_469 : vector<1x128x64xf32> to vector<128x64xf32>
    %concatenate3A_471 = tpu.concatenate %mul3A_465, %get3A_470 in 0 : vector<128x64xf32>, vector<128x64xf32> -> vector<256x64xf32>
    %slice3A_472 = vector.extract_strided_slice %add3A_134 {offsets = [1024, 0], sizes = [128, 64], strides = [1, 1]} : vector<2048x64xf32> to vector<128x64xf32>
    %dot_general3A_473 = arith.constant dense<0.000000e+00> : vector<128x256xf32>
    %dot_general3A_474 = tpu.matmul %slice3A_472, %concatenate3A_471, %dot_general3A_473 {dimension_numbers = #tpu.dot_dimension_numbers<[1], [1], [0], [0], [0, 0, 1, 0], [], []>, transpose_lhs_hint = false} : vector<128x64xf32>, vector<256x64xf32>, vector<128x256xf32> -> vector<128x256xf32>
    %mul3A_475 = arith.constant 1.250000e-01 : f32
    %mul3A_476 = vector.broadcast %mul3A_475 : f32 to vector<128x256xf32>
    %mul3A_477 = arith.mulf %dot_general3A_474, %mul3A_476 : vector<128x256xf32>
    %reduce_max3A_478 = arith.constant dense<0xFF800000> : vector<128xf32>
    %reduce_max3A_479 = vector.multi_reduction <maximumf>, %mul3A_477, %reduce_max3A_478 [1] : vector<128x256xf32> to vector<128xf32>
    %broadcast_in_dim3A_480 = vector.shape_cast %reduce_max3A_479 : vector<128xf32> to vector<128x1xf32>
    %sub3A_481 = vector.broadcast %broadcast_in_dim3A_480 : vector<128x1xf32> to vector<128x256xf32>
    %sub3A_482 = arith.subf %mul3A_477, %sub3A_481 : vector<128x256xf32>
    %exp3A_483 = math.exp %sub3A_482 : vector<128x256xf32>
    %reduce_sum3A_484 = arith.constant dense<0.000000e+00> : vector<128xf32>
    %reduce_sum3A_485 = vector.multi_reduction <add>, %exp3A_483, %reduce_sum3A_484 [1] : vector<128x256xf32> to vector<128xf32>
    %broadcast_in_dim3A_486 = vector.shape_cast %reduce_sum3A_485 : vector<128xf32> to vector<128x1xf32>
    %div3A_487 = vector.broadcast %broadcast_in_dim3A_486 : vector<128x1xf32> to vector<128x256xf32>
    %div3A_488 = arith.divf %exp3A_483, %div3A_487 : vector<128x256xf32>
    %dot_general3A_489 = arith.constant dense<0.000000e+00> : vector<128x64xf32>
    %dot_general3A_490 = tpu.matmul %div3A_488, %concatenate3A_471, %dot_general3A_489 {dimension_numbers = #tpu.dot_dimension_numbers<[1], [0], [0], [1], [0, 0, 1, 1], [], []>, transpose_lhs_hint = false} : vector<128x256xf32>, vector<256x64xf32>, vector<128x64xf32> -> vector<128x64xf32>
    %get3A_491 = arith.constant 0 : index
    %get3A_492 = arith.constant 1152 : index
    %get3A_493 = arith.constant 0 : index
    %get3A_494 = vector.load %arg3[%get3A_491, %get3A_492, %get3A_493] : memref<2x2048x64xf32, #tpu.memory_space<vmem>>, vector<1x128x64xf32>
    %get3A_495 = vector.shape_cast %get3A_494 : vector<1x128x64xf32> to vector<128x64xf32>
    %mul3A_496 = arith.constant 2 : i32
    %mul3A_497 = arith.muli %arg0, %mul3A_496 : i32
    %add3A_498 = arith.constant 0 : i32
    %add3A_499 = arith.addi %mul3A_497, %add3A_498 : i32
    %get3A_500 = arith.index_cast %add3A_499 : i32 to index
    %get3A_501 = arith.constant 0 : index
    %get3A_502 = arith.constant 9 : index
    %get3A_503 = memref.load %arg5[%get3A_500, %get3A_501, %get3A_502] : memref<32x1x16xf32, #tpu.memory_space<smem>>
    %mul3A_504 = vector.broadcast %get3A_503 : f32 to vector<128x64xf32>
    %mul3A_505 = arith.mulf %get3A_495, %mul3A_504 : vector<128x64xf32>
    %get3A_506 = arith.constant 0 : index
    %get3A_507 = arith.constant 1152 : index
    %get3A_508 = arith.constant 0 : index
    %get3A_509 = vector.load %arg2[%get3A_506, %get3A_507, %get3A_508] : memref<2x2048x64xf32, #tpu.memory_space<vmem>>, vector<1x128x64xf32>
    %get3A_510 = vector.shape_cast %get3A_509 : vector<1x128x64xf32> to vector<128x64xf32>
    %concatenate3A_511 = tpu.concatenate %mul3A_505, %get3A_510 in 0 : vector<128x64xf32>, vector<128x64xf32> -> vector<256x64xf32>
    %slice3A_512 = vector.extract_strided_slice %add3A_134 {offsets = [1152, 0], sizes = [128, 64], strides = [1, 1]} : vector<2048x64xf32> to vector<128x64xf32>
    %dot_general3A_513 = arith.constant dense<0.000000e+00> : vector<128x256xf32>
    %dot_general3A_514 = tpu.matmul %slice3A_512, %concatenate3A_511, %dot_general3A_513 {dimension_numbers = #tpu.dot_dimension_numbers<[1], [1], [0], [0], [0, 0, 1, 0], [], []>, transpose_lhs_hint = false} : vector<128x64xf32>, vector<256x64xf32>, vector<128x256xf32> -> vector<128x256xf32>
    %mul3A_515 = arith.constant 1.250000e-01 : f32
    %mul3A_516 = vector.broadcast %mul3A_515 : f32 to vector<128x256xf32>
    %mul3A_517 = arith.mulf %dot_general3A_514, %mul3A_516 : vector<128x256xf32>
    %reduce_max3A_518 = arith.constant dense<0xFF800000> : vector<128xf32>
    %reduce_max3A_519 = vector.multi_reduction <maximumf>, %mul3A_517, %reduce_max3A_518 [1] : vector<128x256xf32> to vector<128xf32>
    %broadcast_in_dim3A_520 = vector.shape_cast %reduce_max3A_519 : vector<128xf32> to vector<128x1xf32>
    %sub3A_521 = vector.broadcast %broadcast_in_dim3A_520 : vector<128x1xf32> to vector<128x256xf32>
    %sub3A_522 = arith.subf %mul3A_517, %sub3A_521 : vector<128x256xf32>
    %exp3A_523 = math.exp %sub3A_522 : vector<128x256xf32>
    %reduce_sum3A_524 = arith.constant dense<0.000000e+00> : vector<128xf32>
    %reduce_sum3A_525 = vector.multi_reduction <add>, %exp3A_523, %reduce_sum3A_524 [1] : vector<128x256xf32> to vector<128xf32>
    %broadcast_in_dim3A_526 = vector.shape_cast %reduce_sum3A_525 : vector<128xf32> to vector<128x1xf32>
    %div3A_527 = vector.broadcast %broadcast_in_dim3A_526 : vector<128x1xf32> to vector<128x256xf32>
    %div3A_528 = arith.divf %exp3A_523, %div3A_527 : vector<128x256xf32>
    %dot_general3A_529 = arith.constant dense<0.000000e+00> : vector<128x64xf32>
    %dot_general3A_530 = tpu.matmul %div3A_528, %concatenate3A_511, %dot_general3A_529 {dimension_numbers = #tpu.dot_dimension_numbers<[1], [0], [0], [1], [0, 0, 1, 1], [], []>, transpose_lhs_hint = false} : vector<128x256xf32>, vector<256x64xf32>, vector<128x64xf32> -> vector<128x64xf32>
    %get3A_531 = arith.constant 0 : index
    %get3A_532 = arith.constant 1280 : index
    %get3A_533 = arith.constant 0 : index
    %get3A_534 = vector.load %arg3[%get3A_531, %get3A_532, %get3A_533] : memref<2x2048x64xf32, #tpu.memory_space<vmem>>, vector<1x128x64xf32>
    %get3A_535 = vector.shape_cast %get3A_534 : vector<1x128x64xf32> to vector<128x64xf32>
    %mul3A_536 = arith.constant 2 : i32
    %mul3A_537 = arith.muli %arg0, %mul3A_536 : i32
    %add3A_538 = arith.constant 0 : i32
    %add3A_539 = arith.addi %mul3A_537, %add3A_538 : i32
    %get3A_540 = arith.index_cast %add3A_539 : i32 to index
    %get3A_541 = arith.constant 0 : index
    %get3A_542 = arith.constant 10 : index
    %get3A_543 = memref.load %arg5[%get3A_540, %get3A_541, %get3A_542] : memref<32x1x16xf32, #tpu.memory_space<smem>>
    %mul3A_544 = vector.broadcast %get3A_543 : f32 to vector<128x64xf32>
    %mul3A_545 = arith.mulf %get3A_535, %mul3A_544 : vector<128x64xf32>
    %get3A_546 = arith.constant 0 : index
    %get3A_547 = arith.constant 1280 : index
    %get3A_548 = arith.constant 0 : index
    %get3A_549 = vector.load %arg2[%get3A_546, %get3A_547, %get3A_548] : memref<2x2048x64xf32, #tpu.memory_space<vmem>>, vector<1x128x64xf32>
    %get3A_550 = vector.shape_cast %get3A_549 : vector<1x128x64xf32> to vector<128x64xf32>
    %concatenate3A_551 = tpu.concatenate %mul3A_545, %get3A_550 in 0 : vector<128x64xf32>, vector<128x64xf32> -> vector<256x64xf32>
    %slice3A_552 = vector.extract_strided_slice %add3A_134 {offsets = [1280, 0], sizes = [128, 64], strides = [1, 1]} : vector<2048x64xf32> to vector<128x64xf32>
    %dot_general3A_553 = arith.constant dense<0.000000e+00> : vector<128x256xf32>
    %dot_general3A_554 = tpu.matmul %slice3A_552, %concatenate3A_551, %dot_general3A_553 {dimension_numbers = #tpu.dot_dimension_numbers<[1], [1], [0], [0], [0, 0, 1, 0], [], []>, transpose_lhs_hint = false} : vector<128x64xf32>, vector<256x64xf32>, vector<128x256xf32> -> vector<128x256xf32>
    %mul3A_555 = arith.constant 1.250000e-01 : f32
    %mul3A_556 = vector.broadcast %mul3A_555 : f32 to vector<128x256xf32>
    %mul3A_557 = arith.mulf %dot_general3A_554, %mul3A_556 : vector<128x256xf32>
    %reduce_max3A_558 = arith.constant dense<0xFF800000> : vector<128xf32>
    %reduce_max3A_559 = vector.multi_reduction <maximumf>, %mul3A_557, %reduce_max3A_558 [1] : vector<128x256xf32> to vector<128xf32>
    %broadcast_in_dim3A_560 = vector.shape_cast %reduce_max3A_559 : vector<128xf32> to vector<128x1xf32>
    %sub3A_561 = vector.broadcast %broadcast_in_dim3A_560 : vector<128x1xf32> to vector<128x256xf32>
    %sub3A_562 = arith.subf %mul3A_557, %sub3A_561 : vector<128x256xf32>
    %exp3A_563 = math.exp %sub3A_562 : vector<128x256xf32>
    %reduce_sum3A_564 = arith.constant dense<0.000000e+00> : vector<128xf32>
    %reduce_sum3A_565 = vector.multi_reduction <add>, %exp3A_563, %reduce_sum3A_564 [1] : vector<128x256xf32> to vector<128xf32>
    %broadcast_in_dim3A_566 = vector.shape_cast %reduce_sum3A_565 : vector<128xf32> to vector<128x1xf32>
    %div3A_567 = vector.broadcast %broadcast_in_dim3A_566 : vector<128x1xf32> to vector<128x256xf32>
    %div3A_568 = arith.divf %exp3A_563, %div3A_567 : vector<128x256xf32>
    %dot_general3A_569 = arith.constant dense<0.000000e+00> : vector<128x64xf32>
    %dot_general3A_570 = tpu.matmul %div3A_568, %concatenate3A_551, %dot_general3A_569 {dimension_numbers = #tpu.dot_dimension_numbers<[1], [0], [0], [1], [0, 0, 1, 1], [], []>, transpose_lhs_hint = false} : vector<128x256xf32>, vector<256x64xf32>, vector<128x64xf32> -> vector<128x64xf32>
    %get3A_571 = arith.constant 0 : index
    %get3A_572 = arith.constant 1408 : index
    %get3A_573 = arith.constant 0 : index
    %get3A_574 = vector.load %arg3[%get3A_571, %get3A_572, %get3A_573] : memref<2x2048x64xf32, #tpu.memory_space<vmem>>, vector<1x128x64xf32>
    %get3A_575 = vector.shape_cast %get3A_574 : vector<1x128x64xf32> to vector<128x64xf32>
    %mul3A_576 = arith.constant 2 : i32
    %mul3A_577 = arith.muli %arg0, %mul3A_576 : i32
    %add3A_578 = arith.constant 0 : i32
    %add3A_579 = arith.addi %mul3A_577, %add3A_578 : i32
    %get3A_580 = arith.index_cast %add3A_579 : i32 to index
    %get3A_581 = arith.constant 0 : index
    %get3A_582 = arith.constant 11 : index
    %get3A_583 = memref.load %arg5[%get3A_580, %get3A_581, %get3A_582] : memref<32x1x16xf32, #tpu.memory_space<smem>>
    %mul3A_584 = vector.broadcast %get3A_583 : f32 to vector<128x64xf32>
    %mul3A_585 = arith.mulf %get3A_575, %mul3A_584 : vector<128x64xf32>
    %get3A_586 = arith.constant 0 : index
    %get3A_587 = arith.constant 1408 : index
    %get3A_588 = arith.constant 0 : index
    %get3A_589 = vector.load %arg2[%get3A_586, %get3A_587, %get3A_588] : memref<2x2048x64xf32, #tpu.memory_space<vmem>>, vector<1x128x64xf32>
    %get3A_590 = vector.shape_cast %get3A_589 : vector<1x128x64xf32> to vector<128x64xf32>
    %concatenate3A_591 = tpu.concatenate %mul3A_585, %get3A_590 in 0 : vector<128x64xf32>, vector<128x64xf32> -> vector<256x64xf32>
    %slice3A_592 = vector.extract_strided_slice %add3A_134 {offsets = [1408, 0], sizes = [128, 64], strides = [1, 1]} : vector<2048x64xf32> to vector<128x64xf32>
    %dot_general3A_593 = arith.constant dense<0.000000e+00> : vector<128x256xf32>
    %dot_general3A_594 = tpu.matmul %slice3A_592, %concatenate3A_591, %dot_general3A_593 {dimension_numbers = #tpu.dot_dimension_numbers<[1], [1], [0], [0], [0, 0, 1, 0], [], []>, transpose_lhs_hint = false} : vector<128x64xf32>, vector<256x64xf32>, vector<128x256xf32> -> vector<128x256xf32>
    %mul3A_595 = arith.constant 1.250000e-01 : f32
    %mul3A_596 = vector.broadcast %mul3A_595 : f32 to vector<128x256xf32>
    %mul3A_597 = arith.mulf %dot_general3A_594, %mul3A_596 : vector<128x256xf32>
    %reduce_max3A_598 = arith.constant dense<0xFF800000> : vector<128xf32>
    %reduce_max3A_599 = vector.multi_reduction <maximumf>, %mul3A_597, %reduce_max3A_598 [1] : vector<128x256xf32> to vector<128xf32>
    %broadcast_in_dim3A_600 = vector.shape_cast %reduce_max3A_599 : vector<128xf32> to vector<128x1xf32>
    %sub3A_601 = vector.broadcast %broadcast_in_dim3A_600 : vector<128x1xf32> to vector<128x256xf32>
    %sub3A_602 = arith.subf %mul3A_597, %sub3A_601 : vector<128x256xf32>
    %exp3A_603 = math.exp %sub3A_602 : vector<128x256xf32>
    %reduce_sum3A_604 = arith.constant dense<0.000000e+00> : vector<128xf32>
    %reduce_sum3A_605 = vector.multi_reduction <add>, %exp3A_603, %reduce_sum3A_604 [1] : vector<128x256xf32> to vector<128xf32>
    %broadcast_in_dim3A_606 = vector.shape_cast %reduce_sum3A_605 : vector<128xf32> to vector<128x1xf32>
    %div3A_607 = vector.broadcast %broadcast_in_dim3A_606 : vector<128x1xf32> to vector<128x256xf32>
    %div3A_608 = arith.divf %exp3A_603, %div3A_607 : vector<128x256xf32>
    %dot_general3A_609 = arith.constant dense<0.000000e+00> : vector<128x64xf32>
    %dot_general3A_610 = tpu.matmul %div3A_608, %concatenate3A_591, %dot_general3A_609 {dimension_numbers = #tpu.dot_dimension_numbers<[1], [0], [0], [1], [0, 0, 1, 1], [], []>, transpose_lhs_hint = false} : vector<128x256xf32>, vector<256x64xf32>, vector<128x64xf32> -> vector<128x64xf32>
    %get3A_611 = arith.constant 0 : index
    %get3A_612 = arith.constant 1536 : index
    %get3A_613 = arith.constant 0 : index
    %get3A_614 = vector.load %arg3[%get3A_611, %get3A_612, %get3A_613] : memref<2x2048x64xf32, #tpu.memory_space<vmem>>, vector<1x128x64xf32>
    %get3A_615 = vector.shape_cast %get3A_614 : vector<1x128x64xf32> to vector<128x64xf32>
    %mul3A_616 = arith.constant 2 : i32
    %mul3A_617 = arith.muli %arg0, %mul3A_616 : i32
    %add3A_618 = arith.constant 0 : i32
    %add3A_619 = arith.addi %mul3A_617, %add3A_618 : i32
    %get3A_620 = arith.index_cast %add3A_619 : i32 to index
    %get3A_621 = arith.constant 0 : index
    %get3A_622 = arith.constant 12 : index
    %get3A_623 = memref.load %arg5[%get3A_620, %get3A_621, %get3A_622] : memref<32x1x16xf32, #tpu.memory_space<smem>>
    %mul3A_624 = vector.broadcast %get3A_623 : f32 to vector<128x64xf32>
    %mul3A_625 = arith.mulf %get3A_615, %mul3A_624 : vector<128x64xf32>
    %get3A_626 = arith.constant 0 : index
    %get3A_627 = arith.constant 1536 : index
    %get3A_628 = arith.constant 0 : index
    %get3A_629 = vector.load %arg2[%get3A_626, %get3A_627, %get3A_628] : memref<2x2048x64xf32, #tpu.memory_space<vmem>>, vector<1x128x64xf32>
    %get3A_630 = vector.shape_cast %get3A_629 : vector<1x128x64xf32> to vector<128x64xf32>
    %concatenate3A_631 = tpu.concatenate %mul3A_625, %get3A_630 in 0 : vector<128x64xf32>, vector<128x64xf32> -> vector<256x64xf32>
    %slice3A_632 = vector.extract_strided_slice %add3A_134 {offsets = [1536, 0], sizes = [128, 64], strides = [1, 1]} : vector<2048x64xf32> to vector<128x64xf32>
    %dot_general3A_633 = arith.constant dense<0.000000e+00> : vector<128x256xf32>
    %dot_general3A_634 = tpu.matmul %slice3A_632, %concatenate3A_631, %dot_general3A_633 {dimension_numbers = #tpu.dot_dimension_numbers<[1], [1], [0], [0], [0, 0, 1, 0], [], []>, transpose_lhs_hint = false} : vector<128x64xf32>, vector<256x64xf32>, vector<128x256xf32> -> vector<128x256xf32>
    %mul3A_635 = arith.constant 1.250000e-01 : f32
    %mul3A_636 = vector.broadcast %mul3A_635 : f32 to vector<128x256xf32>
    %mul3A_637 = arith.mulf %dot_general3A_634, %mul3A_636 : vector<128x256xf32>
    %reduce_max3A_638 = arith.constant dense<0xFF800000> : vector<128xf32>
    %reduce_max3A_639 = vector.multi_reduction <maximumf>, %mul3A_637, %reduce_max3A_638 [1] : vector<128x256xf32> to vector<128xf32>
    %broadcast_in_dim3A_640 = vector.shape_cast %reduce_max3A_639 : vector<128xf32> to vector<128x1xf32>
    %sub3A_641 = vector.broadcast %broadcast_in_dim3A_640 : vector<128x1xf32> to vector<128x256xf32>
    %sub3A_642 = arith.subf %mul3A_637, %sub3A_641 : vector<128x256xf32>
    %exp3A_643 = math.exp %sub3A_642 : vector<128x256xf32>
    %reduce_sum3A_644 = arith.constant dense<0.000000e+00> : vector<128xf32>
    %reduce_sum3A_645 = vector.multi_reduction <add>, %exp3A_643, %reduce_sum3A_644 [1] : vector<128x256xf32> to vector<128xf32>
    %broadcast_in_dim3A_646 = vector.shape_cast %reduce_sum3A_645 : vector<128xf32> to vector<128x1xf32>
    %div3A_647 = vector.broadcast %broadcast_in_dim3A_646 : vector<128x1xf32> to vector<128x256xf32>
    %div3A_648 = arith.divf %exp3A_643, %div3A_647 : vector<128x256xf32>
    %dot_general3A_649 = arith.constant dense<0.000000e+00> : vector<128x64xf32>
    %dot_general3A_650 = tpu.matmul %div3A_648, %concatenate3A_631, %dot_general3A_649 {dimension_numbers = #tpu.dot_dimension_numbers<[1], [0], [0], [1], [0, 0, 1, 1], [], []>, transpose_lhs_hint = false} : vector<128x256xf32>, vector<256x64xf32>, vector<128x64xf32> -> vector<128x64xf32>
    %get3A_651 = arith.constant 0 : index
    %get3A_652 = arith.constant 1664 : index
    %get3A_653 = arith.constant 0 : index
    %get3A_654 = vector.load %arg3[%get3A_651, %get3A_652, %get3A_653] : memref<2x2048x64xf32, #tpu.memory_space<vmem>>, vector<1x128x64xf32>
    %get3A_655 = vector.shape_cast %get3A_654 : vector<1x128x64xf32> to vector<128x64xf32>
    %mul3A_656 = arith.constant 2 : i32
    %mul3A_657 = arith.muli %arg0, %mul3A_656 : i32
    %add3A_658 = arith.constant 0 : i32
    %add3A_659 = arith.addi %mul3A_657, %add3A_658 : i32
    %get3A_660 = arith.index_cast %add3A_659 : i32 to index
    %get3A_661 = arith.constant 0 : index
    %get3A_662 = arith.constant 13 : index
    %get3A_663 = memref.load %arg5[%get3A_660, %get3A_661, %get3A_662] : memref<32x1x16xf32, #tpu.memory_space<smem>>
    %mul3A_664 = vector.broadcast %get3A_663 : f32 to vector<128x64xf32>
    %mul3A_665 = arith.mulf %get3A_655, %mul3A_664 : vector<128x64xf32>
    %get3A_666 = arith.constant 0 : index
    %get3A_667 = arith.constant 1664 : index
    %get3A_668 = arith.constant 0 : index
    %get3A_669 = vector.load %arg2[%get3A_666, %get3A_667, %get3A_668] : memref<2x2048x64xf32, #tpu.memory_space<vmem>>, vector<1x128x64xf32>
    %get3A_670 = vector.shape_cast %get3A_669 : vector<1x128x64xf32> to vector<128x64xf32>
    %concatenate3A_671 = tpu.concatenate %mul3A_665, %get3A_670 in 0 : vector<128x64xf32>, vector<128x64xf32> -> vector<256x64xf32>
    %slice3A_672 = vector.extract_strided_slice %add3A_134 {offsets = [1664, 0], sizes = [128, 64], strides = [1, 1]} : vector<2048x64xf32> to vector<128x64xf32>
    %dot_general3A_673 = arith.constant dense<0.000000e+00> : vector<128x256xf32>
    %dot_general3A_674 = tpu.matmul %slice3A_672, %concatenate3A_671, %dot_general3A_673 {dimension_numbers = #tpu.dot_dimension_numbers<[1], [1], [0], [0], [0, 0, 1, 0], [], []>, transpose_lhs_hint = false} : vector<128x64xf32>, vector<256x64xf32>, vector<128x256xf32> -> vector<128x256xf32>
    %mul3A_675 = arith.constant 1.250000e-01 : f32
    %mul3A_676 = vector.broadcast %mul3A_675 : f32 to vector<128x256xf32>
    %mul3A_677 = arith.mulf %dot_general3A_674, %mul3A_676 : vector<128x256xf32>
    %reduce_max3A_678 = arith.constant dense<0xFF800000> : vector<128xf32>
    %reduce_max3A_679 = vector.multi_reduction <maximumf>, %mul3A_677, %reduce_max3A_678 [1] : vector<128x256xf32> to vector<128xf32>
    %broadcast_in_dim3A_680 = vector.shape_cast %reduce_max3A_679 : vector<128xf32> to vector<128x1xf32>
    %sub3A_681 = vector.broadcast %broadcast_in_dim3A_680 : vector<128x1xf32> to vector<128x256xf32>
    %sub3A_682 = arith.subf %mul3A_677, %sub3A_681 : vector<128x256xf32>
    %exp3A_683 = math.exp %sub3A_682 : vector<128x256xf32>
    %reduce_sum3A_684 = arith.constant dense<0.000000e+00> : vector<128xf32>
    %reduce_sum3A_685 = vector.multi_reduction <add>, %exp3A_683, %reduce_sum3A_684 [1] : vector<128x256xf32> to vector<128xf32>
    %broadcast_in_dim3A_686 = vector.shape_cast %reduce_sum3A_685 : vector<128xf32> to vector<128x1xf32>
    %div3A_687 = vector.broadcast %broadcast_in_dim3A_686 : vector<128x1xf32> to vector<128x256xf32>
    %div3A_688 = arith.divf %exp3A_683, %div3A_687 : vector<128x256xf32>
    %dot_general3A_689 = arith.constant dense<0.000000e+00> : vector<128x64xf32>
    %dot_general3A_690 = tpu.matmul %div3A_688, %concatenate3A_671, %dot_general3A_689 {dimension_numbers = #tpu.dot_dimension_numbers<[1], [0], [0], [1], [0, 0, 1, 1], [], []>, transpose_lhs_hint = false} : vector<128x256xf32>, vector<256x64xf32>, vector<128x64xf32> -> vector<128x64xf32>
    %get3A_691 = arith.constant 0 : index
    %get3A_692 = arith.constant 1792 : index
    %get3A_693 = arith.constant 0 : index
    %get3A_694 = vector.load %arg3[%get3A_691, %get3A_692, %get3A_693] : memref<2x2048x64xf32, #tpu.memory_space<vmem>>, vector<1x128x64xf32>
    %get3A_695 = vector.shape_cast %get3A_694 : vector<1x128x64xf32> to vector<128x64xf32>
    %mul3A_696 = arith.constant 2 : i32
    %mul3A_697 = arith.muli %arg0, %mul3A_696 : i32
    %add3A_698 = arith.constant 0 : i32
    %add3A_699 = arith.addi %mul3A_697, %add3A_698 : i32
    %get3A_700 = arith.index_cast %add3A_699 : i32 to index
    %get3A_701 = arith.constant 0 : index
    %get3A_702 = arith.constant 14 : index
    %get3A_703 = memref.load %arg5[%get3A_700, %get3A_701, %get3A_702] : memref<32x1x16xf32, #tpu.memory_space<smem>>
    %mul3A_704 = vector.broadcast %get3A_703 : f32 to vector<128x64xf32>
    %mul3A_705 = arith.mulf %get3A_695, %mul3A_704 : vector<128x64xf32>
    %get3A_706 = arith.constant 0 : index
    %get3A_707 = arith.constant 1792 : index
    %get3A_708 = arith.constant 0 : index
    %get3A_709 = vector.load %arg2[%get3A_706, %get3A_707, %get3A_708] : memref<2x2048x64xf32, #tpu.memory_space<vmem>>, vector<1x128x64xf32>
    %get3A_710 = vector.shape_cast %get3A_709 : vector<1x128x64xf32> to vector<128x64xf32>
    %concatenate3A_711 = tpu.concatenate %mul3A_705, %get3A_710 in 0 : vector<128x64xf32>, vector<128x64xf32> -> vector<256x64xf32>
    %slice3A_712 = vector.extract_strided_slice %add3A_134 {offsets = [1792, 0], sizes = [128, 64], strides = [1, 1]} : vector<2048x64xf32> to vector<128x64xf32>
    %dot_general3A_713 = arith.constant dense<0.000000e+00> : vector<128x256xf32>
    %dot_general3A_714 = tpu.matmul %slice3A_712, %concatenate3A_711, %dot_general3A_713 {dimension_numbers = #tpu.dot_dimension_numbers<[1], [1], [0], [0], [0, 0, 1, 0], [], []>, transpose_lhs_hint = false} : vector<128x64xf32>, vector<256x64xf32>, vector<128x256xf32> -> vector<128x256xf32>
    %mul3A_715 = arith.constant 1.250000e-01 : f32
    %mul3A_716 = vector.broadcast %mul3A_715 : f32 to vector<128x256xf32>
    %mul3A_717 = arith.mulf %dot_general3A_714, %mul3A_716 : vector<128x256xf32>
    %reduce_max3A_718 = arith.constant dense<0xFF800000> : vector<128xf32>
    %reduce_max3A_719 = vector.multi_reduction <maximumf>, %mul3A_717, %reduce_max3A_718 [1] : vector<128x256xf32> to vector<128xf32>
    %broadcast_in_dim3A_720 = vector.shape_cast %reduce_max3A_719 : vector<128xf32> to vector<128x1xf32>
    %sub3A_721 = vector.broadcast %broadcast_in_dim3A_720 : vector<128x1xf32> to vector<128x256xf32>
    %sub3A_722 = arith.subf %mul3A_717, %sub3A_721 : vector<128x256xf32>
    %exp3A_723 = math.exp %sub3A_722 : vector<128x256xf32>
    %reduce_sum3A_724 = arith.constant dense<0.000000e+00> : vector<128xf32>
    %reduce_sum3A_725 = vector.multi_reduction <add>, %exp3A_723, %reduce_sum3A_724 [1] : vector<128x256xf32> to vector<128xf32>
    %broadcast_in_dim3A_726 = vector.shape_cast %reduce_sum3A_725 : vector<128xf32> to vector<128x1xf32>
    %div3A_727 = vector.broadcast %broadcast_in_dim3A_726 : vector<128x1xf32> to vector<128x256xf32>
    %div3A_728 = arith.divf %exp3A_723, %div3A_727 : vector<128x256xf32>
    %dot_general3A_729 = arith.constant dense<0.000000e+00> : vector<128x64xf32>
    %dot_general3A_730 = tpu.matmul %div3A_728, %concatenate3A_711, %dot_general3A_729 {dimension_numbers = #tpu.dot_dimension_numbers<[1], [0], [0], [1], [0, 0, 1, 1], [], []>, transpose_lhs_hint = false} : vector<128x256xf32>, vector<256x64xf32>, vector<128x64xf32> -> vector<128x64xf32>
    %get3A_731 = arith.constant 0 : index
    %get3A_732 = arith.constant 1920 : index
    %get3A_733 = arith.constant 0 : index
    %get3A_734 = vector.load %arg3[%get3A_731, %get3A_732, %get3A_733] : memref<2x2048x64xf32, #tpu.memory_space<vmem>>, vector<1x128x64xf32>
    %get3A_735 = vector.shape_cast %get3A_734 : vector<1x128x64xf32> to vector<128x64xf32>
    %mul3A_736 = arith.constant 2 : i32
    %mul3A_737 = arith.muli %arg0, %mul3A_736 : i32
    %add3A_738 = arith.constant 0 : i32
    %add3A_739 = arith.addi %mul3A_737, %add3A_738 : i32
    %get3A_740 = arith.index_cast %add3A_739 : i32 to index
    %get3A_741 = arith.constant 0 : index
    %get3A_742 = arith.constant 15 : index
    %get3A_743 = memref.load %arg5[%get3A_740, %get3A_741, %get3A_742] : memref<32x1x16xf32, #tpu.memory_space<smem>>
    %mul3A_744 = vector.broadcast %get3A_743 : f32 to vector<128x64xf32>
    %mul3A_745 = arith.mulf %get3A_735, %mul3A_744 : vector<128x64xf32>
    %get3A_746 = arith.constant 0 : index
    %get3A_747 = arith.constant 1920 : index
    %get3A_748 = arith.constant 0 : index
    %get3A_749 = vector.load %arg2[%get3A_746, %get3A_747, %get3A_748] : memref<2x2048x64xf32, #tpu.memory_space<vmem>>, vector<1x128x64xf32>
    %get3A_750 = vector.shape_cast %get3A_749 : vector<1x128x64xf32> to vector<128x64xf32>
    %concatenate3A_751 = tpu.concatenate %mul3A_745, %get3A_750 in 0 : vector<128x64xf32>, vector<128x64xf32> -> vector<256x64xf32>
    %slice3A_752 = vector.extract_strided_slice %add3A_134 {offsets = [1920, 0], sizes = [128, 64], strides = [1, 1]} : vector<2048x64xf32> to vector<128x64xf32>
    %dot_general3A_753 = arith.constant dense<0.000000e+00> : vector<128x256xf32>
    %dot_general3A_754 = tpu.matmul %slice3A_752, %concatenate3A_751, %dot_general3A_753 {dimension_numbers = #tpu.dot_dimension_numbers<[1], [1], [0], [0], [0, 0, 1, 0], [], []>, transpose_lhs_hint = false} : vector<128x64xf32>, vector<256x64xf32>, vector<128x256xf32> -> vector<128x256xf32>
    %mul3A_755 = arith.constant 1.250000e-01 : f32
    %mul3A_756 = vector.broadcast %mul3A_755 : f32 to vector<128x256xf32>
    %mul3A_757 = arith.mulf %dot_general3A_754, %mul3A_756 : vector<128x256xf32>
    %reduce_max3A_758 = arith.constant dense<0xFF800000> : vector<128xf32>
    %reduce_max3A_759 = vector.multi_reduction <maximumf>, %mul3A_757, %reduce_max3A_758 [1] : vector<128x256xf32> to vector<128xf32>
    %broadcast_in_dim3A_760 = vector.shape_cast %reduce_max3A_759 : vector<128xf32> to vector<128x1xf32>
    %sub3A_761 = vector.broadcast %broadcast_in_dim3A_760 : vector<128x1xf32> to vector<128x256xf32>
    %sub3A_762 = arith.subf %mul3A_757, %sub3A_761 : vector<128x256xf32>
    %exp3A_763 = math.exp %sub3A_762 : vector<128x256xf32>
    %reduce_sum3A_764 = arith.constant dense<0.000000e+00> : vector<128xf32>
    %reduce_sum3A_765 = vector.multi_reduction <add>, %exp3A_763, %reduce_sum3A_764 [1] : vector<128x256xf32> to vector<128xf32>
    %broadcast_in_dim3A_766 = vector.shape_cast %reduce_sum3A_765 : vector<128xf32> to vector<128x1xf32>
    %div3A_767 = vector.broadcast %broadcast_in_dim3A_766 : vector<128x1xf32> to vector<128x256xf32>
    %div3A_768 = arith.divf %exp3A_763, %div3A_767 : vector<128x256xf32>
    %dot_general3A_769 = arith.constant dense<0.000000e+00> : vector<128x64xf32>
    %dot_general3A_770 = tpu.matmul %div3A_768, %concatenate3A_751, %dot_general3A_769 {dimension_numbers = #tpu.dot_dimension_numbers<[1], [0], [0], [1], [0, 0, 1, 1], [], []>, transpose_lhs_hint = false} : vector<128x256xf32>, vector<256x64xf32>, vector<128x64xf32> -> vector<128x64xf32>
    %concatenate3A_771 = tpu.concatenate %dot_general3A_170, %dot_general3A_210, %dot_general3A_250, %dot_general3A_290, %dot_general3A_330, %dot_general3A_370, %dot_general3A_410, %dot_general3A_450, %dot_general3A_490, %dot_general3A_530, %dot_general3A_570, %dot_general3A_610, %dot_general3A_650, %dot_general3A_690, %dot_general3A_730, %dot_general3A_770 in 0 : vector<128x64xf32>, vector<128x64xf32>, vector<128x64xf32>, vector<128x64xf32>, vector<128x64xf32>, vector<128x64xf32>, vector<128x64xf32>, vector<128x64xf32>, vector<128x64xf32>, vector<128x64xf32>, vector<128x64xf32>, vector<128x64xf32>, vector<128x64xf32>, vector<128x64xf32>, vector<128x64xf32>, vector<128x64xf32> -> vector<2048x64xf32>
    %dot_general3A_772 = arith.constant dense<0.000000e+00> : vector<2048x512xf32>
    %dot_general3A_773 = tpu.matmul %concatenate3A_771, %select_n3A_103, %dot_general3A_772 {dimension_numbers = #tpu.dot_dimension_numbers<[1], [0], [0], [1], [0, 0, 1, 1], [], []>, transpose_lhs_hint = false} : vector<2048x64xf32>, vector<64x512xf32>, vector<2048x512xf32> -> vector<2048x512xf32>
    %mul3A_774 = arith.mulf %dot_general3A_773, %get3A_118 : vector<2048x512xf32>
    %slice3A_775 = vector.extract_strided_slice %mul3A_774 {offsets = [0, 0], sizes = [2048, 256], strides = [1, 1]} : vector<2048x512xf32> to vector<2048x256xf32>
    %slice3A_776 = vector.extract_strided_slice %mul3A_774 {offsets = [0, 256], sizes = [2048, 256], strides = [1, 1]} : vector<2048x512xf32> to vector<2048x256xf32>
    %add3A_777 = arith.addf %slice3A_775, %slice3A_776 : vector<2048x256xf32>
    %slice3A_778 = vector.extract_strided_slice %add3A_777 {offsets = [0, 0], sizes = [2048, 128], strides = [1, 1]} : vector<2048x256xf32> to vector<2048x128xf32>
    %slice3A_779 = vector.extract_strided_slice %add3A_777 {offsets = [0, 128], sizes = [2048, 128], strides = [1, 1]} : vector<2048x256xf32> to vector<2048x128xf32>
    %add3A_780 = arith.addf %slice3A_778, %slice3A_779 : vector<2048x128xf32>
    %slice3A_781 = vector.extract_strided_slice %add3A_780 {offsets = [0, 0], sizes = [2048, 64], strides = [1, 1]} : vector<2048x128xf32> to vector<2048x64xf32>
    %slice3A_782 = vector.extract_strided_slice %add3A_780 {offsets = [0, 64], sizes = [2048, 64], strides = [1, 1]} : vector<2048x128xf32> to vector<2048x64xf32>
    %add3A_783 = arith.addf %slice3A_781, %slice3A_782 : vector<2048x64xf32>
    %swap3A = arith.constant 0 : index
    %swap3A_784 = arith.constant 0 : index
    %swap3A_785 = arith.constant 0 : index
    %swap3A_786 = vector.load %arg6[%swap3A, %swap3A_784, %swap3A_785] : memref<2x2048x64xf32, #tpu.memory_space<vmem>>, vector<1x2048x64xf32>
    %swap3A_787 = vector.shape_cast %swap3A_786 : vector<1x2048x64xf32> to vector<2048x64xf32>
    %swap3A_788 = vector.shape_cast %add3A_783 : vector<2048x64xf32> to vector<1x2048x64xf32>
    tpu.vector_store %arg6[%swap3A, %swap3A_784, %swap3A_785], %swap3A_788 {strides = array<i32>} : memref<2x2048x64xf32, #tpu.memory_space<vmem>>, vector<1x2048x64xf32>,
    %get3A_789 = arith.constant 1 : index
    %get3A_790 = arith.constant 0 : index
    %get3A_791 = arith.constant 0 : index
    %get3A_792 = vector.load %arg1[%get3A_789, %get3A_790, %get3A_791] : memref<2x1x64xf32, #tpu.memory_space<vmem>>, vector<1x1x64xf32>
    %get3A_793 = vector.shape_cast %get3A_792 : vector<1x1x64xf32> to vector<1x64xf32>
    %dot_general3A_794 = arith.constant dense<0.000000e+00> : vector<1x512xf32>
    %dot_general3A_795 = tpu.matmul %get3A_793, %select_n3A_103, %dot_general3A_794 {dimension_numbers = #tpu.dot_dimension_numbers<[1], [0], [0], [1], [0, 0, 1, 1], [], []>, transpose_lhs_hint = false} : vector<1x64xf32>, vector<64x512xf32>, vector<1x512xf32> -> vector<1x512xf32>
    %mul3A_796 = vector.broadcast %dot_general3A_795 : vector<1x512xf32> to vector<2048x512xf32>
    %mul3A_797 = arith.mulf %mul3A_796, %get3A_118 : vector<2048x512xf32>
    %slice3A_798 = vector.extract_strided_slice %mul3A_797 {offsets = [0, 0], sizes = [2048, 256], strides = [1, 1]} : vector<2048x512xf32> to vector<2048x256xf32>
    %slice3A_799 = vector.extract_strided_slice %mul3A_797 {offsets = [0, 256], sizes = [2048, 256], strides = [1, 1]} : vector<2048x512xf32> to vector<2048x256xf32>
    %add3A_800 = arith.addf %slice3A_798, %slice3A_799 : vector<2048x256xf32>
    %slice3A_801 = vector.extract_strided_slice %add3A_800 {offsets = [0, 0], sizes = [2048, 128], strides = [1, 1]} : vector<2048x256xf32> to vector<2048x128xf32>
    %slice3A_802 = vector.extract_strided_slice %add3A_800 {offsets = [0, 128], sizes = [2048, 128], strides = [1, 1]} : vector<2048x256xf32> to vector<2048x128xf32>
    %add3A_803 = arith.addf %slice3A_801, %slice3A_802 : vector<2048x128xf32>
    %slice3A_804 = vector.extract_strided_slice %add3A_803 {offsets = [0, 0], sizes = [2048, 64], strides = [1, 1]} : vector<2048x128xf32> to vector<2048x64xf32>
    %slice3A_805 = vector.extract_strided_slice %add3A_803 {offsets = [0, 64], sizes = [2048, 64], strides = [1, 1]} : vector<2048x128xf32> to vector<2048x64xf32>
    %add3A_806 = arith.addf %slice3A_804, %slice3A_805 : vector<2048x64xf32>
    %get3A_807 = arith.constant 1 : index
    %get3A_808 = arith.constant 0 : index
    %get3A_809 = arith.constant 0 : index
    %get3A_810 = vector.load %arg3[%get3A_807, %get3A_808, %get3A_809] : memref<2x2048x64xf32, #tpu.memory_space<vmem>>, vector<1x128x64xf32>
    %get3A_811 = vector.shape_cast %get3A_810 : vector<1x128x64xf32> to vector<128x64xf32>
    %mul3A_812 = arith.constant 2 : i32
    %mul3A_813 = arith.muli %arg0, %mul3A_812 : i32
    %add3A_814 = arith.constant 1 : i32
    %add3A_815 = arith.addi %mul3A_813, %add3A_814 : i32
    %get3A_816 = arith.index_cast %add3A_815 : i32 to index
    %get3A_817 = arith.constant 0 : index
    %get3A_818 = arith.constant 0 : index
    %get3A_819 = memref.load %arg5[%get3A_816, %get3A_817, %get3A_818] : memref<32x1x16xf32, #tpu.memory_space<smem>>
    %mul3A_820 = vector.broadcast %get3A_819 : f32 to vector<128x64xf32>
    %mul3A_821 = arith.mulf %get3A_811, %mul3A_820 : vector<128x64xf32>
    %get3A_822 = arith.constant 1 : index
    %get3A_823 = arith.constant 0 : index
    %get3A_824 = arith.constant 0 : index
    %get3A_825 = vector.load %arg2[%get3A_822, %get3A_823, %get3A_824] : memref<2x2048x64xf32, #tpu.memory_space<vmem>>, vector<1x128x64xf32>
    %get3A_826 = vector.shape_cast %get3A_825 : vector<1x128x64xf32> to vector<128x64xf32>
    %concatenate3A_827 = tpu.concatenate %mul3A_821, %get3A_826 in 0 : vector<128x64xf32>, vector<128x64xf32> -> vector<256x64xf32>
    %slice3A_828 = vector.extract_strided_slice %add3A_806 {offsets = [0, 0], sizes = [128, 64], strides = [1, 1]} : vector<2048x64xf32> to vector<128x64xf32>
    %dot_general3A_829 = arith.constant dense<0.000000e+00> : vector<128x256xf32>
    %dot_general3A_830 = tpu.matmul %slice3A_828, %concatenate3A_827, %dot_general3A_829 {dimension_numbers = #tpu.dot_dimension_numbers<[1], [1], [0], [0], [0, 0, 1, 0], [], []>, transpose_lhs_hint = false} : vector<128x64xf32>, vector<256x64xf32>, vector<128x256xf32> -> vector<128x256xf32>
    %mul3A_831 = arith.constant 1.250000e-01 : f32
    %mul3A_832 = vector.broadcast %mul3A_831 : f32 to vector<128x256xf32>
    %mul3A_833 = arith.mulf %dot_general3A_830, %mul3A_832 : vector<128x256xf32>
    %reduce_max3A_834 = arith.constant dense<0xFF800000> : vector<128xf32>
    %reduce_max3A_835 = vector.multi_reduction <maximumf>, %mul3A_833, %reduce_max3A_834 [1] : vector<128x256xf32> to vector<128xf32>
    %broadcast_in_dim3A_836 = vector.shape_cast %reduce_max3A_835 : vector<128xf32> to vector<128x1xf32>
    %sub3A_837 = vector.broadcast %broadcast_in_dim3A_836 : vector<128x1xf32> to vector<128x256xf32>
    %sub3A_838 = arith.subf %mul3A_833, %sub3A_837 : vector<128x256xf32>
    %exp3A_839 = math.exp %sub3A_838 : vector<128x256xf32>
    %reduce_sum3A_840 = arith.constant dense<0.000000e+00> : vector<128xf32>
    %reduce_sum3A_841 = vector.multi_reduction <add>, %exp3A_839, %reduce_sum3A_840 [1] : vector<128x256xf32> to vector<128xf32>
    %broadcast_in_dim3A_842 = vector.shape_cast %reduce_sum3A_841 : vector<128xf32> to vector<128x1xf32>
    %div3A_843 = vector.broadcast %broadcast_in_dim3A_842 : vector<128x1xf32> to vector<128x256xf32>
    %div3A_844 = arith.divf %exp3A_839, %div3A_843 : vector<128x256xf32>
    %dot_general3A_845 = arith.constant dense<0.000000e+00> : vector<128x64xf32>
    %dot_general3A_846 = tpu.matmul %div3A_844, %concatenate3A_827, %dot_general3A_845 {dimension_numbers = #tpu.dot_dimension_numbers<[1], [0], [0], [1], [0, 0, 1, 1], [], []>, transpose_lhs_hint = false} : vector<128x256xf32>, vector<256x64xf32>, vector<128x64xf32> -> vector<128x64xf32>
    %get3A_847 = arith.constant 1 : index
    %get3A_848 = arith.constant 128 : index
    %get3A_849 = arith.constant 0 : index
    %get3A_850 = vector.load %arg3[%get3A_847, %get3A_848, %get3A_849] : memref<2x2048x64xf32, #tpu.memory_space<vmem>>, vector<1x128x64xf32>
    %get3A_851 = vector.shape_cast %get3A_850 : vector<1x128x64xf32> to vector<128x64xf32>
    %mul3A_852 = arith.constant 2 : i32
    %mul3A_853 = arith.muli %arg0, %mul3A_852 : i32
    %add3A_854 = arith.constant 1 : i32
    %add3A_855 = arith.addi %mul3A_853, %add3A_854 : i32
    %get3A_856 = arith.index_cast %add3A_855 : i32 to index
    %get3A_857 = arith.constant 0 : index
    %get3A_858 = arith.constant 1 : index
    %get3A_859 = memref.load %arg5[%get3A_856, %get3A_857, %get3A_858] : memref<32x1x16xf32, #tpu.memory_space<smem>>
    %mul3A_860 = vector.broadcast %get3A_859 : f32 to vector<128x64xf32>
    %mul3A_861 = arith.mulf %get3A_851, %mul3A_860 : vector<128x64xf32>
    %get3A_862 = arith.constant 1 : index
    %get3A_863 = arith.constant 128 : index
    %get3A_864 = arith.constant 0 : index
    %get3A_865 = vector.load %arg2[%get3A_862, %get3A_863, %get3A_864] : memref<2x2048x64xf32, #tpu.memory_space<vmem>>, vector<1x128x64xf32>
    %get3A_866 = vector.shape_cast %get3A_865 : vector<1x128x64xf32> to vector<128x64xf32>
    %concatenate3A_867 = tpu.concatenate %mul3A_861, %get3A_866 in 0 : vector<128x64xf32>, vector<128x64xf32> -> vector<256x64xf32>
    %slice3A_868 = vector.extract_strided_slice %add3A_806 {offsets = [128, 0], sizes = [128, 64], strides = [1, 1]} : vector<2048x64xf32> to vector<128x64xf32>
    %dot_general3A_869 = arith.constant dense<0.000000e+00> : vector<128x256xf32>
    %dot_general3A_870 = tpu.matmul %slice3A_868, %concatenate3A_867, %dot_general3A_869 {dimension_numbers = #tpu.dot_dimension_numbers<[1], [1], [0], [0], [0, 0, 1, 0], [], []>, transpose_lhs_hint = false} : vector<128x64xf32>, vector<256x64xf32>, vector<128x256xf32> -> vector<128x256xf32>
    %mul3A_871 = arith.constant 1.250000e-01 : f32
    %mul3A_872 = vector.broadcast %mul3A_871 : f32 to vector<128x256xf32>
    %mul3A_873 = arith.mulf %dot_general3A_870, %mul3A_872 : vector<128x256xf32>
    %reduce_max3A_874 = arith.constant dense<0xFF800000> : vector<128xf32>
    %reduce_max3A_875 = vector.multi_reduction <maximumf>, %mul3A_873, %reduce_max3A_874 [1] : vector<128x256xf32> to vector<128xf32>
    %broadcast_in_dim3A_876 = vector.shape_cast %reduce_max3A_875 : vector<128xf32> to vector<128x1xf32>
    %sub3A_877 = vector.broadcast %broadcast_in_dim3A_876 : vector<128x1xf32> to vector<128x256xf32>
    %sub3A_878 = arith.subf %mul3A_873, %sub3A_877 : vector<128x256xf32>
    %exp3A_879 = math.exp %sub3A_878 : vector<128x256xf32>
    %reduce_sum3A_880 = arith.constant dense<0.000000e+00> : vector<128xf32>
    %reduce_sum3A_881 = vector.multi_reduction <add>, %exp3A_879, %reduce_sum3A_880 [1] : vector<128x256xf32> to vector<128xf32>
    %broadcast_in_dim3A_882 = vector.shape_cast %reduce_sum3A_881 : vector<128xf32> to vector<128x1xf32>
    %div3A_883 = vector.broadcast %broadcast_in_dim3A_882 : vector<128x1xf32> to vector<128x256xf32>
    %div3A_884 = arith.divf %exp3A_879, %div3A_883 : vector<128x256xf32>
    %dot_general3A_885 = arith.constant dense<0.000000e+00> : vector<128x64xf32>
    %dot_general3A_886 = tpu.matmul %div3A_884, %concatenate3A_867, %dot_general3A_885 {dimension_numbers = #tpu.dot_dimension_numbers<[1], [0], [0], [1], [0, 0, 1, 1], [], []>, transpose_lhs_hint = false} : vector<128x256xf32>, vector<256x64xf32>, vector<128x64xf32> -> vector<128x64xf32>
    %get3A_887 = arith.constant 1 : index
    %get3A_888 = arith.constant 256 : index
    %get3A_889 = arith.constant 0 : index
    %get3A_890 = vector.load %arg3[%get3A_887, %get3A_888, %get3A_889] : memref<2x2048x64xf32, #tpu.memory_space<vmem>>, vector<1x128x64xf32>
    %get3A_891 = vector.shape_cast %get3A_890 : vector<1x128x64xf32> to vector<128x64xf32>
    %mul3A_892 = arith.constant 2 : i32
    %mul3A_893 = arith.muli %arg0, %mul3A_892 : i32
    %add3A_894 = arith.constant 1 : i32
    %add3A_895 = arith.addi %mul3A_893, %add3A_894 : i32
    %get3A_896 = arith.index_cast %add3A_895 : i32 to index
    %get3A_897 = arith.constant 0 : index
    %get3A_898 = arith.constant 2 : index
    %get3A_899 = memref.load %arg5[%get3A_896, %get3A_897, %get3A_898] : memref<32x1x16xf32, #tpu.memory_space<smem>>
    %mul3A_900 = vector.broadcast %get3A_899 : f32 to vector<128x64xf32>
    %mul3A_901 = arith.mulf %get3A_891, %mul3A_900 : vector<128x64xf32>
    %get3A_902 = arith.constant 1 : index
    %get3A_903 = arith.constant 256 : index
    %get3A_904 = arith.constant 0 : index
    %get3A_905 = vector.load %arg2[%get3A_902, %get3A_903, %get3A_904] : memref<2x2048x64xf32, #tpu.memory_space<vmem>>, vector<1x128x64xf32>
    %get3A_906 = vector.shape_cast %get3A_905 : vector<1x128x64xf32> to vector<128x64xf32>
    %concatenate3A_907 = tpu.concatenate %mul3A_901, %get3A_906 in 0 : vector<128x64xf32>, vector<128x64xf32> -> vector<256x64xf32>
    %slice3A_908 = vector.extract_strided_slice %add3A_806 {offsets = [256, 0], sizes = [128, 64], strides = [1, 1]} : vector<2048x64xf32> to vector<128x64xf32>
    %dot_general3A_909 = arith.constant dense<0.000000e+00> : vector<128x256xf32>
    %dot_general3A_910 = tpu.matmul %slice3A_908, %concatenate3A_907, %dot_general3A_909 {dimension_numbers = #tpu.dot_dimension_numbers<[1], [1], [0], [0], [0, 0, 1, 0], [], []>, transpose_lhs_hint = false} : vector<128x64xf32>, vector<256x64xf32>, vector<128x256xf32> -> vector<128x256xf32>
    %mul3A_911 = arith.constant 1.250000e-01 : f32
    %mul3A_912 = vector.broadcast %mul3A_911 : f32 to vector<128x256xf32>
    %mul3A_913 = arith.mulf %dot_general3A_910, %mul3A_912 : vector<128x256xf32>
    %reduce_max3A_914 = arith.constant dense<0xFF800000> : vector<128xf32>
    %reduce_max3A_915 = vector.multi_reduction <maximumf>, %mul3A_913, %reduce_max3A_914 [1] : vector<128x256xf32> to vector<128xf32>
    %broadcast_in_dim3A_916 = vector.shape_cast %reduce_max3A_915 : vector<128xf32> to vector<128x1xf32>
    %sub3A_917 = vector.broadcast %broadcast_in_dim3A_916 : vector<128x1xf32> to vector<128x256xf32>
    %sub3A_918 = arith.subf %mul3A_913, %sub3A_917 : vector<128x256xf32>
    %exp3A_919 = math.exp %sub3A_918 : vector<128x256xf32>
    %reduce_sum3A_920 = arith.constant dense<0.000000e+00> : vector<128xf32>
    %reduce_sum3A_921 = vector.multi_reduction <add>, %exp3A_919, %reduce_sum3A_920 [1] : vector<128x256xf32> to vector<128xf32>
    %broadcast_in_dim3A_922 = vector.shape_cast %reduce_sum3A_921 : vector<128xf32> to vector<128x1xf32>
    %div3A_923 = vector.broadcast %broadcast_in_dim3A_922 : vector<128x1xf32> to vector<128x256xf32>
    %div3A_924 = arith.divf %exp3A_919, %div3A_923 : vector<128x256xf32>
    %dot_general3A_925 = arith.constant dense<0.000000e+00> : vector<128x64xf32>
    %dot_general3A_926 = tpu.matmul %div3A_924, %concatenate3A_907, %dot_general3A_925 {dimension_numbers = #tpu.dot_dimension_numbers<[1], [0], [0], [1], [0, 0, 1, 1], [], []>, transpose_lhs_hint = false} : vector<128x256xf32>, vector<256x64xf32>, vector<128x64xf32> -> vector<128x64xf32>
    %get3A_927 = arith.constant 1 : index
    %get3A_928 = arith.constant 384 : index
    %get3A_929 = arith.constant 0 : index
    %get3A_930 = vector.load %arg3[%get3A_927, %get3A_928, %get3A_929] : memref<2x2048x64xf32, #tpu.memory_space<vmem>>, vector<1x128x64xf32>
    %get3A_931 = vector.shape_cast %get3A_930 : vector<1x128x64xf32> to vector<128x64xf32>
    %mul3A_932 = arith.constant 2 : i32
    %mul3A_933 = arith.muli %arg0, %mul3A_932 : i32
    %add3A_934 = arith.constant 1 : i32
    %add3A_935 = arith.addi %mul3A_933, %add3A_934 : i32
    %get3A_936 = arith.index_cast %add3A_935 : i32 to index
    %get3A_937 = arith.constant 0 : index
    %get3A_938 = arith.constant 3 : index
    %get3A_939 = memref.load %arg5[%get3A_936, %get3A_937, %get3A_938] : memref<32x1x16xf32, #tpu.memory_space<smem>>
    %mul3A_940 = vector.broadcast %get3A_939 : f32 to vector<128x64xf32>
    %mul3A_941 = arith.mulf %get3A_931, %mul3A_940 : vector<128x64xf32>
    %get3A_942 = arith.constant 1 : index
    %get3A_943 = arith.constant 384 : index
    %get3A_944 = arith.constant 0 : index
    %get3A_945 = vector.load %arg2[%get3A_942, %get3A_943, %get3A_944] : memref<2x2048x64xf32, #tpu.memory_space<vmem>>, vector<1x128x64xf32>
    %get3A_946 = vector.shape_cast %get3A_945 : vector<1x128x64xf32> to vector<128x64xf32>
    %concatenate3A_947 = tpu.concatenate %mul3A_941, %get3A_946 in 0 : vector<128x64xf32>, vector<128x64xf32> -> vector<256x64xf32>
    %slice3A_948 = vector.extract_strided_slice %add3A_806 {offsets = [384, 0], sizes = [128, 64], strides = [1, 1]} : vector<2048x64xf32> to vector<128x64xf32>
    %dot_general3A_949 = arith.constant dense<0.000000e+00> : vector<128x256xf32>
    %dot_general3A_950 = tpu.matmul %slice3A_948, %concatenate3A_947, %dot_general3A_949 {dimension_numbers = #tpu.dot_dimension_numbers<[1], [1], [0], [0], [0, 0, 1, 0], [], []>, transpose_lhs_hint = false} : vector<128x64xf32>, vector<256x64xf32>, vector<128x256xf32> -> vector<128x256xf32>
    %mul3A_951 = arith.constant 1.250000e-01 : f32
    %mul3A_952 = vector.broadcast %mul3A_951 : f32 to vector<128x256xf32>
    %mul3A_953 = arith.mulf %dot_general3A_950, %mul3A_952 : vector<128x256xf32>
    %reduce_max3A_954 = arith.constant dense<0xFF800000> : vector<128xf32>
    %reduce_max3A_955 = vector.multi_reduction <maximumf>, %mul3A_953, %reduce_max3A_954 [1] : vector<128x256xf32> to vector<128xf32>
    %broadcast_in_dim3A_956 = vector.shape_cast %reduce_max3A_955 : vector<128xf32> to vector<128x1xf32>
    %sub3A_957 = vector.broadcast %broadcast_in_dim3A_956 : vector<128x1xf32> to vector<128x256xf32>
    %sub3A_958 = arith.subf %mul3A_953, %sub3A_957 : vector<128x256xf32>
    %exp3A_959 = math.exp %sub3A_958 : vector<128x256xf32>
    %reduce_sum3A_960 = arith.constant dense<0.000000e+00> : vector<128xf32>
    %reduce_sum3A_961 = vector.multi_reduction <add>, %exp3A_959, %reduce_sum3A_960 [1] : vector<128x256xf32> to vector<128xf32>
    %broadcast_in_dim3A_962 = vector.shape_cast %reduce_sum3A_961 : vector<128xf32> to vector<128x1xf32>
    %div3A_963 = vector.broadcast %broadcast_in_dim3A_962 : vector<128x1xf32> to vector<128x256xf32>
    %div3A_964 = arith.divf %exp3A_959, %div3A_963 : vector<128x256xf32>
    %dot_general3A_965 = arith.constant dense<0.000000e+00> : vector<128x64xf32>
    %dot_general3A_966 = tpu.matmul %div3A_964, %concatenate3A_947, %dot_general3A_965 {dimension_numbers = #tpu.dot_dimension_numbers<[1], [0], [0], [1], [0, 0, 1, 1], [], []>, transpose_lhs_hint = false} : vector<128x256xf32>, vector<256x64xf32>, vector<128x64xf32> -> vector<128x64xf32>
    %get3A_967 = arith.constant 1 : index
    %get3A_968 = arith.constant 512 : index
    %get3A_969 = arith.constant 0 : index
    %get3A_970 = vector.load %arg3[%get3A_967, %get3A_968, %get3A_969] : memref<2x2048x64xf32, #tpu.memory_space<vmem>>, vector<1x128x64xf32>
    %get3A_971 = vector.shape_cast %get3A_970 : vector<1x128x64xf32> to vector<128x64xf32>
    %mul3A_972 = arith.constant 2 : i32
    %mul3A_973 = arith.muli %arg0, %mul3A_972 : i32
    %add3A_974 = arith.constant 1 : i32
    %add3A_975 = arith.addi %mul3A_973, %add3A_974 : i32
    %get3A_976 = arith.index_cast %add3A_975 : i32 to index
    %get3A_977 = arith.constant 0 : index
    %get3A_978 = arith.constant 4 : index
    %get3A_979 = memref.load %arg5[%get3A_976, %get3A_977, %get3A_978] : memref<32x1x16xf32, #tpu.memory_space<smem>>
    %mul3A_980 = vector.broadcast %get3A_979 : f32 to vector<128x64xf32>
    %mul3A_981 = arith.mulf %get3A_971, %mul3A_980 : vector<128x64xf32>
    %get3A_982 = arith.constant 1 : index
    %get3A_983 = arith.constant 512 : index
    %get3A_984 = arith.constant 0 : index
    %get3A_985 = vector.load %arg2[%get3A_982, %get3A_983, %get3A_984] : memref<2x2048x64xf32, #tpu.memory_space<vmem>>, vector<1x128x64xf32>
    %get3A_986 = vector.shape_cast %get3A_985 : vector<1x128x64xf32> to vector<128x64xf32>
    %concatenate3A_987 = tpu.concatenate %mul3A_981, %get3A_986 in 0 : vector<128x64xf32>, vector<128x64xf32> -> vector<256x64xf32>
    %slice3A_988 = vector.extract_strided_slice %add3A_806 {offsets = [512, 0], sizes = [128, 64], strides = [1, 1]} : vector<2048x64xf32> to vector<128x64xf32>
    %dot_general3A_989 = arith.constant dense<0.000000e+00> : vector<128x256xf32>
    %dot_general3A_990 = tpu.matmul %slice3A_988, %concatenate3A_987, %dot_general3A_989 {dimension_numbers = #tpu.dot_dimension_numbers<[1], [1], [0], [0], [0, 0, 1, 0], [], []>, transpose_lhs_hint = false} : vector<128x64xf32>, vector<256x64xf32>, vector<128x256xf32> -> vector<128x256xf32>
    %mul3A_991 = arith.constant 1.250000e-01 : f32
    %mul3A_992 = vector.broadcast %mul3A_991 : f32 to vector<128x256xf32>
    %mul3A_993 = arith.mulf %dot_general3A_990, %mul3A_992 : vector<128x256xf32>
    %reduce_max3A_994 = arith.constant dense<0xFF800000> : vector<128xf32>
    %reduce_max3A_995 = vector.multi_reduction <maximumf>, %mul3A_993, %reduce_max3A_994 [1] : vector<128x256xf32> to vector<128xf32>
    %broadcast_in_dim3A_996 = vector.shape_cast %reduce_max3A_995 : vector<128xf32> to vector<128x1xf32>
    %sub3A_997 = vector.broadcast %broadcast_in_dim3A_996 : vector<128x1xf32> to vector<128x256xf32>
    %sub3A_998 = arith.subf %mul3A_993, %sub3A_997 : vector<128x256xf32>
    %exp3A_999 = math.exp %sub3A_998 : vector<128x256xf32>
    %reduce_sum3A_1000 = arith.constant dense<0.000000e+00> : vector<128xf32>
    %reduce_sum3A_1001 = vector.multi_reduction <add>, %exp3A_999, %reduce_sum3A_1000 [1] : vector<128x256xf32> to vector<128xf32>
    %broadcast_in_dim3A_1002 = vector.shape_cast %reduce_sum3A_1001 : vector<128xf32> to vector<128x1xf32>
    %div3A_1003 = vector.broadcast %broadcast_in_dim3A_1002 : vector<128x1xf32> to vector<128x256xf32>
    %div3A_1004 = arith.divf %exp3A_999, %div3A_1003 : vector<128x256xf32>
    %dot_general3A_1005 = arith.constant dense<0.000000e+00> : vector<128x64xf32>
    %dot_general3A_1006 = tpu.matmul %div3A_1004, %concatenate3A_987, %dot_general3A_1005 {dimension_numbers = #tpu.dot_dimension_numbers<[1], [0], [0], [1], [0, 0, 1, 1], [], []>, transpose_lhs_hint = false} : vector<128x256xf32>, vector<256x64xf32>, vector<128x64xf32> -> vector<128x64xf32>
    %get3A_1007 = arith.constant 1 : index
    %get3A_1008 = arith.constant 640 : index
    %get3A_1009 = arith.constant 0 : index
    %get3A_1010 = vector.load %arg3[%get3A_1007, %get3A_1008, %get3A_1009] : memref<2x2048x64xf32, #tpu.memory_space<vmem>>, vector<1x128x64xf32>
    %get3A_1011 = vector.shape_cast %get3A_1010 : vector<1x128x64xf32> to vector<128x64xf32>
    %mul3A_1012 = arith.constant 2 : i32
    %mul3A_1013 = arith.muli %arg0, %mul3A_1012 : i32
    %add3A_1014 = arith.constant 1 : i32
    %add3A_1015 = arith.addi %mul3A_1013, %add3A_1014 : i32
    %get3A_1016 = arith.index_cast %add3A_1015 : i32 to index
    %get3A_1017 = arith.constant 0 : index
    %get3A_1018 = arith.constant 5 : index
    %get3A_1019 = memref.load %arg5[%get3A_1016, %get3A_1017, %get3A_1018] : memref<32x1x16xf32, #tpu.memory_space<smem>>
    %mul3A_1020 = vector.broadcast %get3A_1019 : f32 to vector<128x64xf32>
    %mul3A_1021 = arith.mulf %get3A_1011, %mul3A_1020 : vector<128x64xf32>
    %get3A_1022 = arith.constant 1 : index
    %get3A_1023 = arith.constant 640 : index
    %get3A_1024 = arith.constant 0 : index
    %get3A_1025 = vector.load %arg2[%get3A_1022, %get3A_1023, %get3A_1024] : memref<2x2048x64xf32, #tpu.memory_space<vmem>>, vector<1x128x64xf32>
    %get3A_1026 = vector.shape_cast %get3A_1025 : vector<1x128x64xf32> to vector<128x64xf32>
    %concatenate3A_1027 = tpu.concatenate %mul3A_1021, %get3A_1026 in 0 : vector<128x64xf32>, vector<128x64xf32> -> vector<256x64xf32>
    %slice3A_1028 = vector.extract_strided_slice %add3A_806 {offsets = [640, 0], sizes = [128, 64], strides = [1, 1]} : vector<2048x64xf32> to vector<128x64xf32>
    %dot_general3A_1029 = arith.constant dense<0.000000e+00> : vector<128x256xf32>
    %dot_general3A_1030 = tpu.matmul %slice3A_1028, %concatenate3A_1027, %dot_general3A_1029 {dimension_numbers = #tpu.dot_dimension_numbers<[1], [1], [0], [0], [0, 0, 1, 0], [], []>, transpose_lhs_hint = false} : vector<128x64xf32>, vector<256x64xf32>, vector<128x256xf32> -> vector<128x256xf32>
    %mul3A_1031 = arith.constant 1.250000e-01 : f32
    %mul3A_1032 = vector.broadcast %mul3A_1031 : f32 to vector<128x256xf32>
    %mul3A_1033 = arith.mulf %dot_general3A_1030, %mul3A_1032 : vector<128x256xf32>
    %reduce_max3A_1034 = arith.constant dense<0xFF800000> : vector<128xf32>
    %reduce_max3A_1035 = vector.multi_reduction <maximumf>, %mul3A_1033, %reduce_max3A_1034 [1] : vector<128x256xf32> to vector<128xf32>
    %broadcast_in_dim3A_1036 = vector.shape_cast %reduce_max3A_1035 : vector<128xf32> to vector<128x1xf32>
    %sub3A_1037 = vector.broadcast %broadcast_in_dim3A_1036 : vector<128x1xf32> to vector<128x256xf32>
    %sub3A_1038 = arith.subf %mul3A_1033, %sub3A_1037 : vector<128x256xf32>
    %exp3A_1039 = math.exp %sub3A_1038 : vector<128x256xf32>
    %reduce_sum3A_1040 = arith.constant dense<0.000000e+00> : vector<128xf32>
    %reduce_sum3A_1041 = vector.multi_reduction <add>, %exp3A_1039, %reduce_sum3A_1040 [1] : vector<128x256xf32> to vector<128xf32>
    %broadcast_in_dim3A_1042 = vector.shape_cast %reduce_sum3A_1041 : vector<128xf32> to vector<128x1xf32>
    %div3A_1043 = vector.broadcast %broadcast_in_dim3A_1042 : vector<128x1xf32> to vector<128x256xf32>
    %div3A_1044 = arith.divf %exp3A_1039, %div3A_1043 : vector<128x256xf32>
    %dot_general3A_1045 = arith.constant dense<0.000000e+00> : vector<128x64xf32>
    %dot_general3A_1046 = tpu.matmul %div3A_1044, %concatenate3A_1027, %dot_general3A_1045 {dimension_numbers = #tpu.dot_dimension_numbers<[1], [0], [0], [1], [0, 0, 1, 1], [], []>, transpose_lhs_hint = false} : vector<128x256xf32>, vector<256x64xf32>, vector<128x64xf32> -> vector<128x64xf32>
    %get3A_1047 = arith.constant 1 : index
    %get3A_1048 = arith.constant 768 : index
    %get3A_1049 = arith.constant 0 : index
    %get3A_1050 = vector.load %arg3[%get3A_1047, %get3A_1048, %get3A_1049] : memref<2x2048x64xf32, #tpu.memory_space<vmem>>, vector<1x128x64xf32>
    %get3A_1051 = vector.shape_cast %get3A_1050 : vector<1x128x64xf32> to vector<128x64xf32>
    %mul3A_1052 = arith.constant 2 : i32
    %mul3A_1053 = arith.muli %arg0, %mul3A_1052 : i32
    %add3A_1054 = arith.constant 1 : i32
    %add3A_1055 = arith.addi %mul3A_1053, %add3A_1054 : i32
    %get3A_1056 = arith.index_cast %add3A_1055 : i32 to index
    %get3A_1057 = arith.constant 0 : index
    %get3A_1058 = arith.constant 6 : index
    %get3A_1059 = memref.load %arg5[%get3A_1056, %get3A_1057, %get3A_1058] : memref<32x1x16xf32, #tpu.memory_space<smem>>
    %mul3A_1060 = vector.broadcast %get3A_1059 : f32 to vector<128x64xf32>
    %mul3A_1061 = arith.mulf %get3A_1051, %mul3A_1060 : vector<128x64xf32>
    %get3A_1062 = arith.constant 1 : index
    %get3A_1063 = arith.constant 768 : index
    %get3A_1064 = arith.constant 0 : index
    %get3A_1065 = vector.load %arg2[%get3A_1062, %get3A_1063, %get3A_1064] : memref<2x2048x64xf32, #tpu.memory_space<vmem>>, vector<1x128x64xf32>
    %get3A_1066 = vector.shape_cast %get3A_1065 : vector<1x128x64xf32> to vector<128x64xf32>
    %concatenate3A_1067 = tpu.concatenate %mul3A_1061, %get3A_1066 in 0 : vector<128x64xf32>, vector<128x64xf32> -> vector<256x64xf32>
    %slice3A_1068 = vector.extract_strided_slice %add3A_806 {offsets = [768, 0], sizes = [128, 64], strides = [1, 1]} : vector<2048x64xf32> to vector<128x64xf32>
    %dot_general3A_1069 = arith.constant dense<0.000000e+00> : vector<128x256xf32>
    %dot_general3A_1070 = tpu.matmul %slice3A_1068, %concatenate3A_1067, %dot_general3A_1069 {dimension_numbers = #tpu.dot_dimension_numbers<[1], [1], [0], [0], [0, 0, 1, 0], [], []>, transpose_lhs_hint = false} : vector<128x64xf32>, vector<256x64xf32>, vector<128x256xf32> -> vector<128x256xf32>
    %mul3A_1071 = arith.constant 1.250000e-01 : f32
    %mul3A_1072 = vector.broadcast %mul3A_1071 : f32 to vector<128x256xf32>
    %mul3A_1073 = arith.mulf %dot_general3A_1070, %mul3A_1072 : vector<128x256xf32>
    %reduce_max3A_1074 = arith.constant dense<0xFF800000> : vector<128xf32>
    %reduce_max3A_1075 = vector.multi_reduction <maximumf>, %mul3A_1073, %reduce_max3A_1074 [1] : vector<128x256xf32> to vector<128xf32>
    %broadcast_in_dim3A_1076 = vector.shape_cast %reduce_max3A_1075 : vector<128xf32> to vector<128x1xf32>
    %sub3A_1077 = vector.broadcast %broadcast_in_dim3A_1076 : vector<128x1xf32> to vector<128x256xf32>
    %sub3A_1078 = arith.subf %mul3A_1073, %sub3A_1077 : vector<128x256xf32>
    %exp3A_1079 = math.exp %sub3A_1078 : vector<128x256xf32>
    %reduce_sum3A_1080 = arith.constant dense<0.000000e+00> : vector<128xf32>
    %reduce_sum3A_1081 = vector.multi_reduction <add>, %exp3A_1079, %reduce_sum3A_1080 [1] : vector<128x256xf32> to vector<128xf32>
    %broadcast_in_dim3A_1082 = vector.shape_cast %reduce_sum3A_1081 : vector<128xf32> to vector<128x1xf32>
    %div3A_1083 = vector.broadcast %broadcast_in_dim3A_1082 : vector<128x1xf32> to vector<128x256xf32>
    %div3A_1084 = arith.divf %exp3A_1079, %div3A_1083 : vector<128x256xf32>
    %dot_general3A_1085 = arith.constant dense<0.000000e+00> : vector<128x64xf32>
    %dot_general3A_1086 = tpu.matmul %div3A_1084, %concatenate3A_1067, %dot_general3A_1085 {dimension_numbers = #tpu.dot_dimension_numbers<[1], [0], [0], [1], [0, 0, 1, 1], [], []>, transpose_lhs_hint = false} : vector<128x256xf32>, vector<256x64xf32>, vector<128x64xf32> -> vector<128x64xf32>
    %get3A_1087 = arith.constant 1 : index
    %get3A_1088 = arith.constant 896 : index
    %get3A_1089 = arith.constant 0 : index
    %get3A_1090 = vector.load %arg3[%get3A_1087, %get3A_1088, %get3A_1089] : memref<2x2048x64xf32, #tpu.memory_space<vmem>>, vector<1x128x64xf32>
    %get3A_1091 = vector.shape_cast %get3A_1090 : vector<1x128x64xf32> to vector<128x64xf32>
    %mul3A_1092 = arith.constant 2 : i32
    %mul3A_1093 = arith.muli %arg0, %mul3A_1092 : i32
    %add3A_1094 = arith.constant 1 : i32
    %add3A_1095 = arith.addi %mul3A_1093, %add3A_1094 : i32
    %get3A_1096 = arith.index_cast %add3A_1095 : i32 to index
    %get3A_1097 = arith.constant 0 : index
    %get3A_1098 = arith.constant 7 : index
    %get3A_1099 = memref.load %arg5[%get3A_1096, %get3A_1097, %get3A_1098] : memref<32x1x16xf32, #tpu.memory_space<smem>>
    %mul3A_1100 = vector.broadcast %get3A_1099 : f32 to vector<128x64xf32>
    %mul3A_1101 = arith.mulf %get3A_1091, %mul3A_1100 : vector<128x64xf32>
    %get3A_1102 = arith.constant 1 : index
    %get3A_1103 = arith.constant 896 : index
    %get3A_1104 = arith.constant 0 : index
    %get3A_1105 = vector.load %arg2[%get3A_1102, %get3A_1103, %get3A_1104] : memref<2x2048x64xf32, #tpu.memory_space<vmem>>, vector<1x128x64xf32>
    %get3A_1106 = vector.shape_cast %get3A_1105 : vector<1x128x64xf32> to vector<128x64xf32>
    %concatenate3A_1107 = tpu.concatenate %mul3A_1101, %get3A_1106 in 0 : vector<128x64xf32>, vector<128x64xf32> -> vector<256x64xf32>
    %slice3A_1108 = vector.extract_strided_slice %add3A_806 {offsets = [896, 0], sizes = [128, 64], strides = [1, 1]} : vector<2048x64xf32> to vector<128x64xf32>
    %dot_general3A_1109 = arith.constant dense<0.000000e+00> : vector<128x256xf32>
    %dot_general3A_1110 = tpu.matmul %slice3A_1108, %concatenate3A_1107, %dot_general3A_1109 {dimension_numbers = #tpu.dot_dimension_numbers<[1], [1], [0], [0], [0, 0, 1, 0], [], []>, transpose_lhs_hint = false} : vector<128x64xf32>, vector<256x64xf32>, vector<128x256xf32> -> vector<128x256xf32>
    %mul3A_1111 = arith.constant 1.250000e-01 : f32
    %mul3A_1112 = vector.broadcast %mul3A_1111 : f32 to vector<128x256xf32>
    %mul3A_1113 = arith.mulf %dot_general3A_1110, %mul3A_1112 : vector<128x256xf32>
    %reduce_max3A_1114 = arith.constant dense<0xFF800000> : vector<128xf32>
    %reduce_max3A_1115 = vector.multi_reduction <maximumf>, %mul3A_1113, %reduce_max3A_1114 [1] : vector<128x256xf32> to vector<128xf32>
    %broadcast_in_dim3A_1116 = vector.shape_cast %reduce_max3A_1115 : vector<128xf32> to vector<128x1xf32>
    %sub3A_1117 = vector.broadcast %broadcast_in_dim3A_1116 : vector<128x1xf32> to vector<128x256xf32>
    %sub3A_1118 = arith.subf %mul3A_1113, %sub3A_1117 : vector<128x256xf32>
    %exp3A_1119 = math.exp %sub3A_1118 : vector<128x256xf32>
    %reduce_sum3A_1120 = arith.constant dense<0.000000e+00> : vector<128xf32>
    %reduce_sum3A_1121 = vector.multi_reduction <add>, %exp3A_1119, %reduce_sum3A_1120 [1] : vector<128x256xf32> to vector<128xf32>
    %broadcast_in_dim3A_1122 = vector.shape_cast %reduce_sum3A_1121 : vector<128xf32> to vector<128x1xf32>
    %div3A_1123 = vector.broadcast %broadcast_in_dim3A_1122 : vector<128x1xf32> to vector<128x256xf32>
    %div3A_1124 = arith.divf %exp3A_1119, %div3A_1123 : vector<128x256xf32>
    %dot_general3A_1125 = arith.constant dense<0.000000e+00> : vector<128x64xf32>
    %dot_general3A_1126 = tpu.matmul %div3A_1124, %concatenate3A_1107, %dot_general3A_1125 {dimension_numbers = #tpu.dot_dimension_numbers<[1], [0], [0], [1], [0, 0, 1, 1], [], []>, transpose_lhs_hint = false} : vector<128x256xf32>, vector<256x64xf32>, vector<128x64xf32> -> vector<128x64xf32>
    %get3A_1127 = arith.constant 1 : index
    %get3A_1128 = arith.constant 1024 : index
    %get3A_1129 = arith.constant 0 : index
    %get3A_1130 = vector.load %arg3[%get3A_1127, %get3A_1128, %get3A_1129] : memref<2x2048x64xf32, #tpu.memory_space<vmem>>, vector<1x128x64xf32>
    %get3A_1131 = vector.shape_cast %get3A_1130 : vector<1x128x64xf32> to vector<128x64xf32>
    %mul3A_1132 = arith.constant 2 : i32
    %mul3A_1133 = arith.muli %arg0, %mul3A_1132 : i32
    %add3A_1134 = arith.constant 1 : i32
    %add3A_1135 = arith.addi %mul3A_1133, %add3A_1134 : i32
    %get3A_1136 = arith.index_cast %add3A_1135 : i32 to index
    %get3A_1137 = arith.constant 0 : index
    %get3A_1138 = arith.constant 8 : index
    %get3A_1139 = memref.load %arg5[%get3A_1136, %get3A_1137, %get3A_1138] : memref<32x1x16xf32, #tpu.memory_space<smem>>
    %mul3A_1140 = vector.broadcast %get3A_1139 : f32 to vector<128x64xf32>
    %mul3A_1141 = arith.mulf %get3A_1131, %mul3A_1140 : vector<128x64xf32>
    %get3A_1142 = arith.constant 1 : index
    %get3A_1143 = arith.constant 1024 : index
    %get3A_1144 = arith.constant 0 : index
    %get3A_1145 = vector.load %arg2[%get3A_1142, %get3A_1143, %get3A_1144] : memref<2x2048x64xf32, #tpu.memory_space<vmem>>, vector<1x128x64xf32>
    %get3A_1146 = vector.shape_cast %get3A_1145 : vector<1x128x64xf32> to vector<128x64xf32>
    %concatenate3A_1147 = tpu.concatenate %mul3A_1141, %get3A_1146 in 0 : vector<128x64xf32>, vector<128x64xf32> -> vector<256x64xf32>
    %slice3A_1148 = vector.extract_strided_slice %add3A_806 {offsets = [1024, 0], sizes = [128, 64], strides = [1, 1]} : vector<2048x64xf32> to vector<128x64xf32>
    %dot_general3A_1149 = arith.constant dense<0.000000e+00> : vector<128x256xf32>
    %dot_general3A_1150 = tpu.matmul %slice3A_1148, %concatenate3A_1147, %dot_general3A_1149 {dimension_numbers = #tpu.dot_dimension_numbers<[1], [1], [0], [0], [0, 0, 1, 0], [], []>, transpose_lhs_hint = false} : vector<128x64xf32>, vector<256x64xf32>, vector<128x256xf32> -> vector<128x256xf32>
    %mul3A_1151 = arith.constant 1.250000e-01 : f32
    %mul3A_1152 = vector.broadcast %mul3A_1151 : f32 to vector<128x256xf32>
    %mul3A_1153 = arith.mulf %dot_general3A_1150, %mul3A_1152 : vector<128x256xf32>
    %reduce_max3A_1154 = arith.constant dense<0xFF800000> : vector<128xf32>
    %reduce_max3A_1155 = vector.multi_reduction <maximumf>, %mul3A_1153, %reduce_max3A_1154 [1] : vector<128x256xf32> to vector<128xf32>
    %broadcast_in_dim3A_1156 = vector.shape_cast %reduce_max3A_1155 : vector<128xf32> to vector<128x1xf32>
    %sub3A_1157 = vector.broadcast %broadcast_in_dim3A_1156 : vector<128x1xf32> to vector<128x256xf32>
    %sub3A_1158 = arith.subf %mul3A_1153, %sub3A_1157 : vector<128x256xf32>
    %exp3A_1159 = math.exp %sub3A_1158 : vector<128x256xf32>
    %reduce_sum3A_1160 = arith.constant dense<0.000000e+00> : vector<128xf32>
    %reduce_sum3A_1161 = vector.multi_reduction <add>, %exp3A_1159, %reduce_sum3A_1160 [1] : vector<128x256xf32> to vector<128xf32>
    %broadcast_in_dim3A_1162 = vector.shape_cast %reduce_sum3A_1161 : vector<128xf32> to vector<128x1xf32>
    %div3A_1163 = vector.broadcast %broadcast_in_dim3A_1162 : vector<128x1xf32> to vector<128x256xf32>
    %div3A_1164 = arith.divf %exp3A_1159, %div3A_1163 : vector<128x256xf32>
    %dot_general3A_1165 = arith.constant dense<0.000000e+00> : vector<128x64xf32>
    %dot_general3A_1166 = tpu.matmul %div3A_1164, %concatenate3A_1147, %dot_general3A_1165 {dimension_numbers = #tpu.dot_dimension_numbers<[1], [0], [0], [1], [0, 0, 1, 1], [], []>, transpose_lhs_hint = false} : vector<128x256xf32>, vector<256x64xf32>, vector<128x64xf32> -> vector<128x64xf32>
    %get3A_1167 = arith.constant 1 : index
    %get3A_1168 = arith.constant 1152 : index
    %get3A_1169 = arith.constant 0 : index
    %get3A_1170 = vector.load %arg3[%get3A_1167, %get3A_1168, %get3A_1169] : memref<2x2048x64xf32, #tpu.memory_space<vmem>>, vector<1x128x64xf32>
    %get3A_1171 = vector.shape_cast %get3A_1170 : vector<1x128x64xf32> to vector<128x64xf32>
    %mul3A_1172 = arith.constant 2 : i32
    %mul3A_1173 = arith.muli %arg0, %mul3A_1172 : i32
    %add3A_1174 = arith.constant 1 : i32
    %add3A_1175 = arith.addi %mul3A_1173, %add3A_1174 : i32
    %get3A_1176 = arith.index_cast %add3A_1175 : i32 to index
    %get3A_1177 = arith.constant 0 : index
    %get3A_1178 = arith.constant 9 : index
    %get3A_1179 = memref.load %arg5[%get3A_1176, %get3A_1177, %get3A_1178] : memref<32x1x16xf32, #tpu.memory_space<smem>>
    %mul3A_1180 = vector.broadcast %get3A_1179 : f32 to vector<128x64xf32>
    %mul3A_1181 = arith.mulf %get3A_1171, %mul3A_1180 : vector<128x64xf32>
    %get3A_1182 = arith.constant 1 : index
    %get3A_1183 = arith.constant 1152 : index
    %get3A_1184 = arith.constant 0 : index
    %get3A_1185 = vector.load %arg2[%get3A_1182, %get3A_1183, %get3A_1184] : memref<2x2048x64xf32, #tpu.memory_space<vmem>>, vector<1x128x64xf32>
    %get3A_1186 = vector.shape_cast %get3A_1185 : vector<1x128x64xf32> to vector<128x64xf32>
    %concatenate3A_1187 = tpu.concatenate %mul3A_1181, %get3A_1186 in 0 : vector<128x64xf32>, vector<128x64xf32> -> vector<256x64xf32>
    %slice3A_1188 = vector.extract_strided_slice %add3A_806 {offsets = [1152, 0], sizes = [128, 64], strides = [1, 1]} : vector<2048x64xf32> to vector<128x64xf32>
    %dot_general3A_1189 = arith.constant dense<0.000000e+00> : vector<128x256xf32>
    %dot_general3A_1190 = tpu.matmul %slice3A_1188, %concatenate3A_1187, %dot_general3A_1189 {dimension_numbers = #tpu.dot_dimension_numbers<[1], [1], [0], [0], [0, 0, 1, 0], [], []>, transpose_lhs_hint = false} : vector<128x64xf32>, vector<256x64xf32>, vector<128x256xf32> -> vector<128x256xf32>
    %mul3A_1191 = arith.constant 1.250000e-01 : f32
    %mul3A_1192 = vector.broadcast %mul3A_1191 : f32 to vector<128x256xf32>
    %mul3A_1193 = arith.mulf %dot_general3A_1190, %mul3A_1192 : vector<128x256xf32>
    %reduce_max3A_1194 = arith.constant dense<0xFF800000> : vector<128xf32>
    %reduce_max3A_1195 = vector.multi_reduction <maximumf>, %mul3A_1193, %reduce_max3A_1194 [1] : vector<128x256xf32> to vector<128xf32>
    %broadcast_in_dim3A_1196 = vector.shape_cast %reduce_max3A_1195 : vector<128xf32> to vector<128x1xf32>
    %sub3A_1197 = vector.broadcast %broadcast_in_dim3A_1196 : vector<128x1xf32> to vector<128x256xf32>
    %sub3A_1198 = arith.subf %mul3A_1193, %sub3A_1197 : vector<128x256xf32>
    %exp3A_1199 = math.exp %sub3A_1198 : vector<128x256xf32>
    %reduce_sum3A_1200 = arith.constant dense<0.000000e+00> : vector<128xf32>
    %reduce_sum3A_1201 = vector.multi_reduction <add>, %exp3A_1199, %reduce_sum3A_1200 [1] : vector<128x256xf32> to vector<128xf32>
    %broadcast_in_dim3A_1202 = vector.shape_cast %reduce_sum3A_1201 : vector<128xf32> to vector<128x1xf32>
    %div3A_1203 = vector.broadcast %broadcast_in_dim3A_1202 : vector<128x1xf32> to vector<128x256xf32>
    %div3A_1204 = arith.divf %exp3A_1199, %div3A_1203 : vector<128x256xf32>
    %dot_general3A_1205 = arith.constant dense<0.000000e+00> : vector<128x64xf32>
    %dot_general3A_1206 = tpu.matmul %div3A_1204, %concatenate3A_1187, %dot_general3A_1205 {dimension_numbers = #tpu.dot_dimension_numbers<[1], [0], [0], [1], [0, 0, 1, 1], [], []>, transpose_lhs_hint = false} : vector<128x256xf32>, vector<256x64xf32>, vector<128x64xf32> -> vector<128x64xf32>
    %get3A_1207 = arith.constant 1 : index
    %get3A_1208 = arith.constant 1280 : index
    %get3A_1209 = arith.constant 0 : index
    %get3A_1210 = vector.load %arg3[%get3A_1207, %get3A_1208, %get3A_1209] : memref<2x2048x64xf32, #tpu.memory_space<vmem>>, vector<1x128x64xf32>
    %get3A_1211 = vector.shape_cast %get3A_1210 : vector<1x128x64xf32> to vector<128x64xf32>
    %mul3A_1212 = arith.constant 2 : i32
    %mul3A_1213 = arith.muli %arg0, %mul3A_1212 : i32
    %add3A_1214 = arith.constant 1 : i32
    %add3A_1215 = arith.addi %mul3A_1213, %add3A_1214 : i32
    %get3A_1216 = arith.index_cast %add3A_1215 : i32 to index
    %get3A_1217 = arith.constant 0 : index
    %get3A_1218 = arith.constant 10 : index
    %get3A_1219 = memref.load %arg5[%get3A_1216, %get3A_1217, %get3A_1218] : memref<32x1x16xf32, #tpu.memory_space<smem>>
    %mul3A_1220 = vector.broadcast %get3A_1219 : f32 to vector<128x64xf32>
    %mul3A_1221 = arith.mulf %get3A_1211, %mul3A_1220 : vector<128x64xf32>
    %get3A_1222 = arith.constant 1 : index
    %get3A_1223 = arith.constant 1280 : index
    %get3A_1224 = arith.constant 0 : index
    %get3A_1225 = vector.load %arg2[%get3A_1222, %get3A_1223, %get3A_1224] : memref<2x2048x64xf32, #tpu.memory_space<vmem>>, vector<1x128x64xf32>
    %get3A_1226 = vector.shape_cast %get3A_1225 : vector<1x128x64xf32> to vector<128x64xf32>
    %concatenate3A_1227 = tpu.concatenate %mul3A_1221, %get3A_1226 in 0 : vector<128x64xf32>, vector<128x64xf32> -> vector<256x64xf32>
    %slice3A_1228 = vector.extract_strided_slice %add3A_806 {offsets = [1280, 0], sizes = [128, 64], strides = [1, 1]} : vector<2048x64xf32> to vector<128x64xf32>
    %dot_general3A_1229 = arith.constant dense<0.000000e+00> : vector<128x256xf32>
    %dot_general3A_1230 = tpu.matmul %slice3A_1228, %concatenate3A_1227, %dot_general3A_1229 {dimension_numbers = #tpu.dot_dimension_numbers<[1], [1], [0], [0], [0, 0, 1, 0], [], []>, transpose_lhs_hint = false} : vector<128x64xf32>, vector<256x64xf32>, vector<128x256xf32> -> vector<128x256xf32>
    %mul3A_1231 = arith.constant 1.250000e-01 : f32
    %mul3A_1232 = vector.broadcast %mul3A_1231 : f32 to vector<128x256xf32>
    %mul3A_1233 = arith.mulf %dot_general3A_1230, %mul3A_1232 : vector<128x256xf32>
    %reduce_max3A_1234 = arith.constant dense<0xFF800000> : vector<128xf32>
    %reduce_max3A_1235 = vector.multi_reduction <maximumf>, %mul3A_1233, %reduce_max3A_1234 [1] : vector<128x256xf32> to vector<128xf32>
    %broadcast_in_dim3A_1236 = vector.shape_cast %reduce_max3A_1235 : vector<128xf32> to vector<128x1xf32>
    %sub3A_1237 = vector.broadcast %broadcast_in_dim3A_1236 : vector<128x1xf32> to vector<128x256xf32>
    %sub3A_1238 = arith.subf %mul3A_1233, %sub3A_1237 : vector<128x256xf32>
    %exp3A_1239 = math.exp %sub3A_1238 : vector<128x256xf32>
    %reduce_sum3A_1240 = arith.constant dense<0.000000e+00> : vector<128xf32>
    %reduce_sum3A_1241 = vector.multi_reduction <add>, %exp3A_1239, %reduce_sum3A_1240 [1] : vector<128x256xf32> to vector<128xf32>
    %broadcast_in_dim3A_1242 = vector.shape_cast %reduce_sum3A_1241 : vector<128xf32> to vector<128x1xf32>
    %div3A_1243 = vector.broadcast %broadcast_in_dim3A_1242 : vector<128x1xf32> to vector<128x256xf32>
    %div3A_1244 = arith.divf %exp3A_1239, %div3A_1243 : vector<128x256xf32>
    %dot_general3A_1245 = arith.constant dense<0.000000e+00> : vector<128x64xf32>
    %dot_general3A_1246 = tpu.matmul %div3A_1244, %concatenate3A_1227, %dot_general3A_1245 {dimension_numbers = #tpu.dot_dimension_numbers<[1], [0], [0], [1], [0, 0, 1, 1], [], []>, transpose_lhs_hint = false} : vector<128x256xf32>, vector<256x64xf32>, vector<128x64xf32> -> vector<128x64xf32>
    %get3A_1247 = arith.constant 1 : index
    %get3A_1248 = arith.constant 1408 : index
    %get3A_1249 = arith.constant 0 : index
    %get3A_1250 = vector.load %arg3[%get3A_1247, %get3A_1248, %get3A_1249] : memref<2x2048x64xf32, #tpu.memory_space<vmem>>, vector<1x128x64xf32>
    %get3A_1251 = vector.shape_cast %get3A_1250 : vector<1x128x64xf32> to vector<128x64xf32>
    %mul3A_1252 = arith.constant 2 : i32
    %mul3A_1253 = arith.muli %arg0, %mul3A_1252 : i32
    %add3A_1254 = arith.constant 1 : i32
    %add3A_1255 = arith.addi %mul3A_1253, %add3A_1254 : i32
    %get3A_1256 = arith.index_cast %add3A_1255 : i32 to index
    %get3A_1257 = arith.constant 0 : index
    %get3A_1258 = arith.constant 11 : index
    %get3A_1259 = memref.load %arg5[%get3A_1256, %get3A_1257, %get3A_1258] : memref<32x1x16xf32, #tpu.memory_space<smem>>
    %mul3A_1260 = vector.broadcast %get3A_1259 : f32 to vector<128x64xf32>
    %mul3A_1261 = arith.mulf %get3A_1251, %mul3A_1260 : vector<128x64xf32>
    %get3A_1262 = arith.constant 1 : index
    %get3A_1263 = arith.constant 1408 : index
    %get3A_1264 = arith.constant 0 : index
    %get3A_1265 = vector.load %arg2[%get3A_1262, %get3A_1263, %get3A_1264] : memref<2x2048x64xf32, #tpu.memory_space<vmem>>, vector<1x128x64xf32>
    %get3A_1266 = vector.shape_cast %get3A_1265 : vector<1x128x64xf32> to vector<128x64xf32>
    %concatenate3A_1267 = tpu.concatenate %mul3A_1261, %get3A_1266 in 0 : vector<128x64xf32>, vector<128x64xf32> -> vector<256x64xf32>
    %slice3A_1268 = vector.extract_strided_slice %add3A_806 {offsets = [1408, 0], sizes = [128, 64], strides = [1, 1]} : vector<2048x64xf32> to vector<128x64xf32>
    %dot_general3A_1269 = arith.constant dense<0.000000e+00> : vector<128x256xf32>
    %dot_general3A_1270 = tpu.matmul %slice3A_1268, %concatenate3A_1267, %dot_general3A_1269 {dimension_numbers = #tpu.dot_dimension_numbers<[1], [1], [0], [0], [0, 0, 1, 0], [], []>, transpose_lhs_hint = false} : vector<128x64xf32>, vector<256x64xf32>, vector<128x256xf32> -> vector<128x256xf32>
    %mul3A_1271 = arith.constant 1.250000e-01 : f32
    %mul3A_1272 = vector.broadcast %mul3A_1271 : f32 to vector<128x256xf32>
    %mul3A_1273 = arith.mulf %dot_general3A_1270, %mul3A_1272 : vector<128x256xf32>
    %reduce_max3A_1274 = arith.constant dense<0xFF800000> : vector<128xf32>
    %reduce_max3A_1275 = vector.multi_reduction <maximumf>, %mul3A_1273, %reduce_max3A_1274 [1] : vector<128x256xf32> to vector<128xf32>
    %broadcast_in_dim3A_1276 = vector.shape_cast %reduce_max3A_1275 : vector<128xf32> to vector<128x1xf32>
    %sub3A_1277 = vector.broadcast %broadcast_in_dim3A_1276 : vector<128x1xf32> to vector<128x256xf32>
    %sub3A_1278 = arith.subf %mul3A_1273, %sub3A_1277 : vector<128x256xf32>
    %exp3A_1279 = math.exp %sub3A_1278 : vector<128x256xf32>
    %reduce_sum3A_1280 = arith.constant dense<0.000000e+00> : vector<128xf32>
    %reduce_sum3A_1281 = vector.multi_reduction <add>, %exp3A_1279, %reduce_sum3A_1280 [1] : vector<128x256xf32> to vector<128xf32>
    %broadcast_in_dim3A_1282 = vector.shape_cast %reduce_sum3A_1281 : vector<128xf32> to vector<128x1xf32>
    %div3A_1283 = vector.broadcast %broadcast_in_dim3A_1282 : vector<128x1xf32> to vector<128x256xf32>
    %div3A_1284 = arith.divf %exp3A_1279, %div3A_1283 : vector<128x256xf32>
    %dot_general3A_1285 = arith.constant dense<0.000000e+00> : vector<128x64xf32>
    %dot_general3A_1286 = tpu.matmul %div3A_1284, %concatenate3A_1267, %dot_general3A_1285 {dimension_numbers = #tpu.dot_dimension_numbers<[1], [0], [0], [1], [0, 0, 1, 1], [], []>, transpose_lhs_hint = false} : vector<128x256xf32>, vector<256x64xf32>, vector<128x64xf32> -> vector<128x64xf32>
    %get3A_1287 = arith.constant 1 : index
    %get3A_1288 = arith.constant 1536 : index
    %get3A_1289 = arith.constant 0 : index
    %get3A_1290 = vector.load %arg3[%get3A_1287, %get3A_1288, %get3A_1289] : memref<2x2048x64xf32, #tpu.memory_space<vmem>>, vector<1x128x64xf32>
    %get3A_1291 = vector.shape_cast %get3A_1290 : vector<1x128x64xf32> to vector<128x64xf32>
    %mul3A_1292 = arith.constant 2 : i32
    %mul3A_1293 = arith.muli %arg0, %mul3A_1292 : i32
    %add3A_1294 = arith.constant 1 : i32
    %add3A_1295 = arith.addi %mul3A_1293, %add3A_1294 : i32
    %get3A_1296 = arith.index_cast %add3A_1295 : i32 to index
    %get3A_1297 = arith.constant 0 : index
    %get3A_1298 = arith.constant 12 : index
    %get3A_1299 = memref.load %arg5[%get3A_1296, %get3A_1297, %get3A_1298] : memref<32x1x16xf32, #tpu.memory_space<smem>>
    %mul3A_1300 = vector.broadcast %get3A_1299 : f32 to vector<128x64xf32>
    %mul3A_1301 = arith.mulf %get3A_1291, %mul3A_1300 : vector<128x64xf32>
    %get3A_1302 = arith.constant 1 : index
    %get3A_1303 = arith.constant 1536 : index
    %get3A_1304 = arith.constant 0 : index
    %get3A_1305 = vector.load %arg2[%get3A_1302, %get3A_1303, %get3A_1304] : memref<2x2048x64xf32, #tpu.memory_space<vmem>>, vector<1x128x64xf32>
    %get3A_1306 = vector.shape_cast %get3A_1305 : vector<1x128x64xf32> to vector<128x64xf32>
    %concatenate3A_1307 = tpu.concatenate %mul3A_1301, %get3A_1306 in 0 : vector<128x64xf32>, vector<128x64xf32> -> vector<256x64xf32>
    %slice3A_1308 = vector.extract_strided_slice %add3A_806 {offsets = [1536, 0], sizes = [128, 64], strides = [1, 1]} : vector<2048x64xf32> to vector<128x64xf32>
    %dot_general3A_1309 = arith.constant dense<0.000000e+00> : vector<128x256xf32>
    %dot_general3A_1310 = tpu.matmul %slice3A_1308, %concatenate3A_1307, %dot_general3A_1309 {dimension_numbers = #tpu.dot_dimension_numbers<[1], [1], [0], [0], [0, 0, 1, 0], [], []>, transpose_lhs_hint = false} : vector<128x64xf32>, vector<256x64xf32>, vector<128x256xf32> -> vector<128x256xf32>
    %mul3A_1311 = arith.constant 1.250000e-01 : f32
    %mul3A_1312 = vector.broadcast %mul3A_1311 : f32 to vector<128x256xf32>
    %mul3A_1313 = arith.mulf %dot_general3A_1310, %mul3A_1312 : vector<128x256xf32>
    %reduce_max3A_1314 = arith.constant dense<0xFF800000> : vector<128xf32>
    %reduce_max3A_1315 = vector.multi_reduction <maximumf>, %mul3A_1313, %reduce_max3A_1314 [1] : vector<128x256xf32> to vector<128xf32>
    %broadcast_in_dim3A_1316 = vector.shape_cast %reduce_max3A_1315 : vector<128xf32> to vector<128x1xf32>
    %sub3A_1317 = vector.broadcast %broadcast_in_dim3A_1316 : vector<128x1xf32> to vector<128x256xf32>
    %sub3A_1318 = arith.subf %mul3A_1313, %sub3A_1317 : vector<128x256xf32>
    %exp3A_1319 = math.exp %sub3A_1318 : vector<128x256xf32>
    %reduce_sum3A_1320 = arith.constant dense<0.000000e+00> : vector<128xf32>
    %reduce_sum3A_1321 = vector.multi_reduction <add>, %exp3A_1319, %reduce_sum3A_1320 [1] : vector<128x256xf32> to vector<128xf32>
    %broadcast_in_dim3A_1322 = vector.shape_cast %reduce_sum3A_1321 : vector<128xf32> to vector<128x1xf32>
    %div3A_1323 = vector.broadcast %broadcast_in_dim3A_1322 : vector<128x1xf32> to vector<128x256xf32>
    %div3A_1324 = arith.divf %exp3A_1319, %div3A_1323 : vector<128x256xf32>
    %dot_general3A_1325 = arith.constant dense<0.000000e+00> : vector<128x64xf32>
    %dot_general3A_1326 = tpu.matmul %div3A_1324, %concatenate3A_1307, %dot_general3A_1325 {dimension_numbers = #tpu.dot_dimension_numbers<[1], [0], [0], [1], [0, 0, 1, 1], [], []>, transpose_lhs_hint = false} : vector<128x256xf32>, vector<256x64xf32>, vector<128x64xf32> -> vector<128x64xf32>
    %get3A_1327 = arith.constant 1 : index
    %get3A_1328 = arith.constant 1664 : index
    %get3A_1329 = arith.constant 0 : index
    %get3A_1330 = vector.load %arg3[%get3A_1327, %get3A_1328, %get3A_1329] : memref<2x2048x64xf32, #tpu.memory_space<vmem>>, vector<1x128x64xf32>
    %get3A_1331 = vector.shape_cast %get3A_1330 : vector<1x128x64xf32> to vector<128x64xf32>
    %mul3A_1332 = arith.constant 2 : i32
    %mul3A_1333 = arith.muli %arg0, %mul3A_1332 : i32
    %add3A_1334 = arith.constant 1 : i32
    %add3A_1335 = arith.addi %mul3A_1333, %add3A_1334 : i32
    %get3A_1336 = arith.index_cast %add3A_1335 : i32 to index
    %get3A_1337 = arith.constant 0 : index
    %get3A_1338 = arith.constant 13 : index
    %get3A_1339 = memref.load %arg5[%get3A_1336, %get3A_1337, %get3A_1338] : memref<32x1x16xf32, #tpu.memory_space<smem>>
    %mul3A_1340 = vector.broadcast %get3A_1339 : f32 to vector<128x64xf32>
    %mul3A_1341 = arith.mulf %get3A_1331, %mul3A_1340 : vector<128x64xf32>
    %get3A_1342 = arith.constant 1 : index
    %get3A_1343 = arith.constant 1664 : index
    %get3A_1344 = arith.constant 0 : index
    %get3A_1345 = vector.load %arg2[%get3A_1342, %get3A_1343, %get3A_1344] : memref<2x2048x64xf32, #tpu.memory_space<vmem>>, vector<1x128x64xf32>
    %get3A_1346 = vector.shape_cast %get3A_1345 : vector<1x128x64xf32> to vector<128x64xf32>
    %concatenate3A_1347 = tpu.concatenate %mul3A_1341, %get3A_1346 in 0 : vector<128x64xf32>, vector<128x64xf32> -> vector<256x64xf32>
    %slice3A_1348 = vector.extract_strided_slice %add3A_806 {offsets = [1664, 0], sizes = [128, 64], strides = [1, 1]} : vector<2048x64xf32> to vector<128x64xf32>
    %dot_general3A_1349 = arith.constant dense<0.000000e+00> : vector<128x256xf32>
    %dot_general3A_1350 = tpu.matmul %slice3A_1348, %concatenate3A_1347, %dot_general3A_1349 {dimension_numbers = #tpu.dot_dimension_numbers<[1], [1], [0], [0], [0, 0, 1, 0], [], []>, transpose_lhs_hint = false} : vector<128x64xf32>, vector<256x64xf32>, vector<128x256xf32> -> vector<128x256xf32>
    %mul3A_1351 = arith.constant 1.250000e-01 : f32
    %mul3A_1352 = vector.broadcast %mul3A_1351 : f32 to vector<128x256xf32>
    %mul3A_1353 = arith.mulf %dot_general3A_1350, %mul3A_1352 : vector<128x256xf32>
    %reduce_max3A_1354 = arith.constant dense<0xFF800000> : vector<128xf32>
    %reduce_max3A_1355 = vector.multi_reduction <maximumf>, %mul3A_1353, %reduce_max3A_1354 [1] : vector<128x256xf32> to vector<128xf32>
    %broadcast_in_dim3A_1356 = vector.shape_cast %reduce_max3A_1355 : vector<128xf32> to vector<128x1xf32>
    %sub3A_1357 = vector.broadcast %broadcast_in_dim3A_1356 : vector<128x1xf32> to vector<128x256xf32>
    %sub3A_1358 = arith.subf %mul3A_1353, %sub3A_1357 : vector<128x256xf32>
    %exp3A_1359 = math.exp %sub3A_1358 : vector<128x256xf32>
    %reduce_sum3A_1360 = arith.constant dense<0.000000e+00> : vector<128xf32>
    %reduce_sum3A_1361 = vector.multi_reduction <add>, %exp3A_1359, %reduce_sum3A_1360 [1] : vector<128x256xf32> to vector<128xf32>
    %broadcast_in_dim3A_1362 = vector.shape_cast %reduce_sum3A_1361 : vector<128xf32> to vector<128x1xf32>
    %div3A_1363 = vector.broadcast %broadcast_in_dim3A_1362 : vector<128x1xf32> to vector<128x256xf32>
    %div3A_1364 = arith.divf %exp3A_1359, %div3A_1363 : vector<128x256xf32>
    %dot_general3A_1365 = arith.constant dense<0.000000e+00> : vector<128x64xf32>
    %dot_general3A_1366 = tpu.matmul %div3A_1364, %concatenate3A_1347, %dot_general3A_1365 {dimension_numbers = #tpu.dot_dimension_numbers<[1], [0], [0], [1], [0, 0, 1, 1], [], []>, transpose_lhs_hint = false} : vector<128x256xf32>, vector<256x64xf32>, vector<128x64xf32> -> vector<128x64xf32>
    %get3A_1367 = arith.constant 1 : index
    %get3A_1368 = arith.constant 1792 : index
    %get3A_1369 = arith.constant 0 : index
    %get3A_1370 = vector.load %arg3[%get3A_1367, %get3A_1368, %get3A_1369] : memref<2x2048x64xf32, #tpu.memory_space<vmem>>, vector<1x128x64xf32>
    %get3A_1371 = vector.shape_cast %get3A_1370 : vector<1x128x64xf32> to vector<128x64xf32>
    %mul3A_1372 = arith.constant 2 : i32
    %mul3A_1373 = arith.muli %arg0, %mul3A_1372 : i32
    %add3A_1374 = arith.constant 1 : i32
    %add3A_1375 = arith.addi %mul3A_1373, %add3A_1374 : i32
    %get3A_1376 = arith.index_cast %add3A_1375 : i32 to index
    %get3A_1377 = arith.constant 0 : index
    %get3A_1378 = arith.constant 14 : index
    %get3A_1379 = memref.load %arg5[%get3A_1376, %get3A_1377, %get3A_1378] : memref<32x1x16xf32, #tpu.memory_space<smem>>
    %mul3A_1380 = vector.broadcast %get3A_1379 : f32 to vector<128x64xf32>
    %mul3A_1381 = arith.mulf %get3A_1371, %mul3A_1380 : vector<128x64xf32>
    %get3A_1382 = arith.constant 1 : index
    %get3A_1383 = arith.constant 1792 : index
    %get3A_1384 = arith.constant 0 : index
    %get3A_1385 = vector.load %arg2[%get3A_1382, %get3A_1383, %get3A_1384] : memref<2x2048x64xf32, #tpu.memory_space<vmem>>, vector<1x128x64xf32>
    %get3A_1386 = vector.shape_cast %get3A_1385 : vector<1x128x64xf32> to vector<128x64xf32>
    %concatenate3A_1387 = tpu.concatenate %mul3A_1381, %get3A_1386 in 0 : vector<128x64xf32>, vector<128x64xf32> -> vector<256x64xf32>
    %slice3A_1388 = vector.extract_strided_slice %add3A_806 {offsets = [1792, 0], sizes = [128, 64], strides = [1, 1]} : vector<2048x64xf32> to vector<128x64xf32>
    %dot_general3A_1389 = arith.constant dense<0.000000e+00> : vector<128x256xf32>
    %dot_general3A_1390 = tpu.matmul %slice3A_1388, %concatenate3A_1387, %dot_general3A_1389 {dimension_numbers = #tpu.dot_dimension_numbers<[1], [1], [0], [0], [0, 0, 1, 0], [], []>, transpose_lhs_hint = false} : vector<128x64xf32>, vector<256x64xf32>, vector<128x256xf32> -> vector<128x256xf32>
    %mul3A_1391 = arith.constant 1.250000e-01 : f32
    %mul3A_1392 = vector.broadcast %mul3A_1391 : f32 to vector<128x256xf32>
    %mul3A_1393 = arith.mulf %dot_general3A_1390, %mul3A_1392 : vector<128x256xf32>
    %reduce_max3A_1394 = arith.constant dense<0xFF800000> : vector<128xf32>
    %reduce_max3A_1395 = vector.multi_reduction <maximumf>, %mul3A_1393, %reduce_max3A_1394 [1] : vector<128x256xf32> to vector<128xf32>
    %broadcast_in_dim3A_1396 = vector.shape_cast %reduce_max3A_1395 : vector<128xf32> to vector<128x1xf32>
    %sub3A_1397 = vector.broadcast %broadcast_in_dim3A_1396 : vector<128x1xf32> to vector<128x256xf32>
    %sub3A_1398 = arith.subf %mul3A_1393, %sub3A_1397 : vector<128x256xf32>
    %exp3A_1399 = math.exp %sub3A_1398 : vector<128x256xf32>
    %reduce_sum3A_1400 = arith.constant dense<0.000000e+00> : vector<128xf32>
    %reduce_sum3A_1401 = vector.multi_reduction <add>, %exp3A_1399, %reduce_sum3A_1400 [1] : vector<128x256xf32> to vector<128xf32>
    %broadcast_in_dim3A_1402 = vector.shape_cast %reduce_sum3A_1401 : vector<128xf32> to vector<128x1xf32>
    %div3A_1403 = vector.broadcast %broadcast_in_dim3A_1402 : vector<128x1xf32> to vector<128x256xf32>
    %div3A_1404 = arith.divf %exp3A_1399, %div3A_1403 : vector<128x256xf32>
    %dot_general3A_1405 = arith.constant dense<0.000000e+00> : vector<128x64xf32>
    %dot_general3A_1406 = tpu.matmul %div3A_1404, %concatenate3A_1387, %dot_general3A_1405 {dimension_numbers = #tpu.dot_dimension_numbers<[1], [0], [0], [1], [0, 0, 1, 1], [], []>, transpose_lhs_hint = false} : vector<128x256xf32>, vector<256x64xf32>, vector<128x64xf32> -> vector<128x64xf32>
    %get3A_1407 = arith.constant 1 : index
    %get3A_1408 = arith.constant 1920 : index
    %get3A_1409 = arith.constant 0 : index
    %get3A_1410 = vector.load %arg3[%get3A_1407, %get3A_1408, %get3A_1409] : memref<2x2048x64xf32, #tpu.memory_space<vmem>>, vector<1x128x64xf32>
    %get3A_1411 = vector.shape_cast %get3A_1410 : vector<1x128x64xf32> to vector<128x64xf32>
    %mul3A_1412 = arith.constant 2 : i32
    %mul3A_1413 = arith.muli %arg0, %mul3A_1412 : i32
    %add3A_1414 = arith.constant 1 : i32
    %add3A_1415 = arith.addi %mul3A_1413, %add3A_1414 : i32
    %get3A_1416 = arith.index_cast %add3A_1415 : i32 to index
    %get3A_1417 = arith.constant 0 : index
    %get3A_1418 = arith.constant 15 : index
    %get3A_1419 = memref.load %arg5[%get3A_1416, %get3A_1417, %get3A_1418] : memref<32x1x16xf32, #tpu.memory_space<smem>>
    %mul3A_1420 = vector.broadcast %get3A_1419 : f32 to vector<128x64xf32>
    %mul3A_1421 = arith.mulf %get3A_1411, %mul3A_1420 : vector<128x64xf32>
    %get3A_1422 = arith.constant 1 : index
    %get3A_1423 = arith.constant 1920 : index
    %get3A_1424 = arith.constant 0 : index
    %get3A_1425 = vector.load %arg2[%get3A_1422, %get3A_1423, %get3A_1424] : memref<2x2048x64xf32, #tpu.memory_space<vmem>>, vector<1x128x64xf32>
    %get3A_1426 = vector.shape_cast %get3A_1425 : vector<1x128x64xf32> to vector<128x64xf32>
    %concatenate3A_1427 = tpu.concatenate %mul3A_1421, %get3A_1426 in 0 : vector<128x64xf32>, vector<128x64xf32> -> vector<256x64xf32>
    %slice3A_1428 = vector.extract_strided_slice %add3A_806 {offsets = [1920, 0], sizes = [128, 64], strides = [1, 1]} : vector<2048x64xf32> to vector<128x64xf32>
    %dot_general3A_1429 = arith.constant dense<0.000000e+00> : vector<128x256xf32>
    %dot_general3A_1430 = tpu.matmul %slice3A_1428, %concatenate3A_1427, %dot_general3A_1429 {dimension_numbers = #tpu.dot_dimension_numbers<[1], [1], [0], [0], [0, 0, 1, 0], [], []>, transpose_lhs_hint = false} : vector<128x64xf32>, vector<256x64xf32>, vector<128x256xf32> -> vector<128x256xf32>
    %mul3A_1431 = arith.constant 1.250000e-01 : f32
    %mul3A_1432 = vector.broadcast %mul3A_1431 : f32 to vector<128x256xf32>
    %mul3A_1433 = arith.mulf %dot_general3A_1430, %mul3A_1432 : vector<128x256xf32>
    %reduce_max3A_1434 = arith.constant dense<0xFF800000> : vector<128xf32>
    %reduce_max3A_1435 = vector.multi_reduction <maximumf>, %mul3A_1433, %reduce_max3A_1434 [1] : vector<128x256xf32> to vector<128xf32>
    %broadcast_in_dim3A_1436 = vector.shape_cast %reduce_max3A_1435 : vector<128xf32> to vector<128x1xf32>
    %sub3A_1437 = vector.broadcast %broadcast_in_dim3A_1436 : vector<128x1xf32> to vector<128x256xf32>
    %sub3A_1438 = arith.subf %mul3A_1433, %sub3A_1437 : vector<128x256xf32>
    %exp3A_1439 = math.exp %sub3A_1438 : vector<128x256xf32>
    %reduce_sum3A_1440 = arith.constant dense<0.000000e+00> : vector<128xf32>
    %reduce_sum3A_1441 = vector.multi_reduction <add>, %exp3A_1439, %reduce_sum3A_1440 [1] : vector<128x256xf32> to vector<128xf32>
    %broadcast_in_dim3A_1442 = vector.shape_cast %reduce_sum3A_1441 : vector<128xf32> to vector<128x1xf32>
    %div3A_1443 = vector.broadcast %broadcast_in_dim3A_1442 : vector<128x1xf32> to vector<128x256xf32>
    %div3A_1444 = arith.divf %exp3A_1439, %div3A_1443 : vector<128x256xf32>
    %dot_general3A_1445 = arith.constant dense<0.000000e+00> : vector<128x64xf32>
    %dot_general3A_1446 = tpu.matmul %div3A_1444, %concatenate3A_1427, %dot_general3A_1445 {dimension_numbers = #tpu.dot_dimension_numbers<[1], [0], [0], [1], [0, 0, 1, 1], [], []>, transpose_lhs_hint = false} : vector<128x256xf32>, vector<256x64xf32>, vector<128x64xf32> -> vector<128x64xf32>
    %concatenate3A_1447 = tpu.concatenate %dot_general3A_846, %dot_general3A_886, %dot_general3A_926, %dot_general3A_966, %dot_general3A_1006, %dot_general3A_1046, %dot_general3A_1086, %dot_general3A_1126, %dot_general3A_1166, %dot_general3A_1206, %dot_general3A_1246, %dot_general3A_1286, %dot_general3A_1326, %dot_general3A_1366, %dot_general3A_1406, %dot_general3A_1446 in 0 : vector<128x64xf32>, vector<128x64xf32>, vector<128x64xf32>, vector<128x64xf32>, vector<128x64xf32>, vector<128x64xf32>, vector<128x64xf32>, vector<128x64xf32>, vector<128x64xf32>, vector<128x64xf32>, vector<128x64xf32>, vector<128x64xf32>, vector<128x64xf32>, vector<128x64xf32>, vector<128x64xf32>, vector<128x64xf32> -> vector<2048x64xf32>
    %dot_general3A_1448 = arith.constant dense<0.000000e+00> : vector<2048x512xf32>
    %dot_general3A_1449 = tpu.matmul %concatenate3A_1447, %select_n3A_103, %dot_general3A_1448 {dimension_numbers = #tpu.dot_dimension_numbers<[1], [0], [0], [1], [0, 0, 1, 1], [], []>, transpose_lhs_hint = false} : vector<2048x64xf32>, vector<64x512xf32>, vector<2048x512xf32> -> vector<2048x512xf32>
    %mul3A_1450 = arith.mulf %dot_general3A_1449, %get3A_118 : vector<2048x512xf32>
    %slice3A_1451 = vector.extract_strided_slice %mul3A_1450 {offsets = [0, 0], sizes = [2048, 256], strides = [1, 1]} : vector<2048x512xf32> to vector<2048x256xf32>
    %slice3A_1452 = vector.extract_strided_slice %mul3A_1450 {offsets = [0, 256], sizes = [2048, 256], strides = [1, 1]} : vector<2048x512xf32> to vector<2048x256xf32>
    %add3A_1453 = arith.addf %slice3A_1451, %slice3A_1452 : vector<2048x256xf32>
    %slice3A_1454 = vector.extract_strided_slice %add3A_1453 {offsets = [0, 0], sizes = [2048, 128], strides = [1, 1]} : vector<2048x256xf32> to vector<2048x128xf32>
    %slice3A_1455 = vector.extract_strided_slice %add3A_1453 {offsets = [0, 128], sizes = [2048, 128], strides = [1, 1]} : vector<2048x256xf32> to vector<2048x128xf32>
    %add3A_1456 = arith.addf %slice3A_1454, %slice3A_1455 : vector<2048x128xf32>
    %slice3A_1457 = vector.extract_strided_slice %add3A_1456 {offsets = [0, 0], sizes = [2048, 64], strides = [1, 1]} : vector<2048x128xf32> to vector<2048x64xf32>
    %slice3A_1458 = vector.extract_strided_slice %add3A_1456 {offsets = [0, 64], sizes = [2048, 64], strides = [1, 1]} : vector<2048x128xf32> to vector<2048x64xf32>
    %add3A_1459 = arith.addf %slice3A_1457, %slice3A_1458 : vector<2048x64xf32>
    %swap3A_1460 = arith.constant 1 : index
    %swap3A_1461 = arith.constant 0 : index
    %swap3A_1462 = arith.constant 0 : index
    %swap3A_1463 = vector.load %arg6[%swap3A_1460, %swap3A_1461, %swap3A_1462] : memref<2x2048x64xf32, #tpu.memory_space<vmem>>, vector<1x2048x64xf32>
    %swap3A_1464 = vector.shape_cast %swap3A_1463 : vector<1x2048x64xf32> to vector<2048x64xf32>
    %swap3A_1465 = vector.shape_cast %add3A_1459 : vector<2048x64xf32> to vector<1x2048x64xf32>
    tpu.vector_store %arg6[%swap3A_1460, %swap3A_1461, %swap3A_1462], %swap3A_1465 {strides = array<i32>} : memref<2x2048x64xf32, #tpu.memory_space<vmem>>, vector<1x2048x64xf32>,
    return
  }
  func.func @transform_0(%arg0: i32) -> (i32, i32, i32) {
    %c0_i32 = arith.constant 0 : i32
    %c0_i32_0 = arith.constant 0 : i32
    %c0_i32_1 = arith.constant 0 : i32
    return %arg0, %c0_i32, %c0_i32_0 : i32, i32, i32
  }
  func.func @transform_1(%arg0: i32) -> (i32, i32, i32) {
    %c0_i32 = arith.constant 0 : i32
    %c0_i32_0 = arith.constant 0 : i32
    %c0_i32_1 = arith.constant 0 : i32
    return %arg0, %c0_i32, %c0_i32_0 : i32, i32, i32
  }
  func.func @transform_2(%arg0: i32) -> (i32, i32, i32) {
    %c0_i32 = arith.constant 0 : i32
    %c0_i32_0 = arith.constant 0 : i32
    %c0_i32_1 = arith.constant 0 : i32
    return %arg0, %c0_i32, %c0_i32_0 : i32, i32, i32
  }
  func.func @transform_3(%arg0: i32) -> (i32, i32) {
    %c0_i32 = arith.constant 0 : i32
    %c0_i32_0 = arith.constant 0 : i32
    %c0_i32_1 = arith.constant 0 : i32
    return %c0_i32, %c0_i32_0 : i32, i32
  }
  func.func @transform_4(%arg0: i32) -> (i32, i32, i32) {
    %c0_i32 = arith.constant 0 : i32
    %c0_i32_0 = arith.constant 0 : i32
    %c0_i32_1 = arith.constant 0 : i32
    %c0_i32_2 = arith.constant 0 : i32
    return %c0_i32, %c0_i32_0, %c0_i32_1 : i32, i32, i32
  }
  func.func @transform_5(%arg0: i32) -> (i32, i32, i32) {
    %c0_i32 = arith.constant 0 : i32
    %c0_i32_0 = arith.constant 0 : i32
    %c0_i32_1 = arith.constant 0 : i32
    return %arg0, %c0_i32, %c0_i32_0 : i32, i32, i32
  }
}

</mosaic_0001>

<sc_bundles>
// kernel: kernel.5.cloned.1.call-start
scs
__scs_entry_jumppad:
0x0: {  	(pc) =	sbr.rel $0x88, $3  }
0x1: {  	(tag) =	ssettag $0x0;
	lr =	simm.s32 $0x1  }
0x2: {  	[smem:$0x3F9E] =	sst lr;
	_ =	strace $0xD0000000  }
0x3: {  	_ = 	snop  }
0x4: {  	_ = 	snop  }
0x5: {  	_ = 	snop  }
0x6: {  	_ = 	snop  }
0x7: {  	_ = 	snop  }
__scs_overlays_trampoline_lowered:
0x8: {  	[smem:$0x3FAD] =	sst s0  }
0x9: {  	[smem:$0x3FAE] =	sst s1  }
0xa: {  	[smem:$0x3FAF] =	sst s2  }
0xb: {  	[smem:$0x3FB0] =	sst s3  }
0xc: {  	[smem:$0x3FB1] =	sst s4  }
0xd: {  	[smem:$0x3FB2] =	sst s5  }
0xe: {  	[smem:$0x3FB3] =	sst s6  }
0xf: {  	[smem:$0x3FB4] =	sst s7  }
0x10: {  	[smem:$0x3FB5] =	sst s8  }
0x11: {  	[smem:$0x3FB6] =	sst s9;
	s0 =	simm.s32 @!p0 $0x0  }
0x12: {  	s1 =	sld [smem:$0x3F9C];
	s0 =	simm.s32 @p0 $0x1  }
0x13: {  	[smem:$0x3FB7] =	sst s0;
	s0 =	simm.s32 @!p1 $0x0  }
0x14: {  	s2 =	sld [smem:$0x3F9B];
	s0 =	simm.s32 @p1 $0x1  }
0x15: {  	[smem:$0x3FB8] =	sst s0;
	s0 =	simm.s32 @!p2 $0x0  }
0x16: {  	s3 =	sld [smem:$0x3FDB];
	s0 =	simm.s32 @p2 $0x1  }
0x17: {  	s4 =	simm.s32 $0x1BF5;
	[smem:$0x3FBA] =	sst s0  }
0x18: {  	s0 =	sld [smem:$0x3F9D];
	_ =	swait.ge [sflag:s4], $0x0  }
0x19: {  	s7 =	sld [smem:$0x3F9E]  }
0x1a: {  	s8 =	sadd.s32 $0xFFFFE003, lr  }
0x1b: {  	s9 =	sadd.s32 $0xFFFFFEF7, lr;
	s5 =	simm.s32 $0xFFFFFFFF;
	p2 =	slt.u32 s8, $0xFFFFF086  }
0x1c: {  	p1 =	slt.u32 s9, $0xF7A;
	s5 =	simm.s32 @!p2 $0x0  }
0x1d: {  	s5 =	simm.s32 @p1 $0x1;
	p0 =	seq.s32 s7, s2  }
0x1e: {  	s7 =	smul.u32 @!p0 $0xF7A, s2;
	p2 =	seq.s32 @!p0 s5, $0x0  }
0x1f: {  	s9 =	smul.u32 $0xF7A, s1;
	s8 =	simm.s32 @!p0 $0x1BF5;
	p2 =	por !p2, p0  }
0x20: {  	[sflag:s8] =	ssyncset.s32 @!p0 $0xFFFFF086;
	s6 =	sadd.s32 @!p0 s3, s7;
	s7 =	simm.s32 @!p0 $0x108  }
0x21: {  	s3 =	sadd.s32 s3, s9;
	s6 =	sadd.s32 @!p0 $0x88, s6;
	s7 =	simm.s32 @p2 $0x1082  }
0x22: {  	[simem:s7], [sflag:s8] =	dma.local @!p0 [hbm:s6], $0xF7A  }
0x23: {  	s9 =	sor.u32 $0xD0000000, s2;
	s6 =	simm.s32 $0x108;
	_ =	swait.ge @!p0 [sflag:s8], $0x0  }
0x24: {  	s3 =	sadd.s32 $0x88, s3;
	s6 =	simm.s32 @!p1 $0x1082;
	[sflag:s4] =	ssyncset.s32 $0xFFFFF086  }
0x25: {  	[simem:s6], [sflag:s4] =	dma.local [hbm:s3], $0xF7A  }
0x26: {  	[smem:$0x3F9E] =	sst s1;
	(tag) =	ssettag s2;
	_ =	strace s9  }
0x27: {  	s1 =	sld [smem:$0x3FAE]  }
0x28: {  	s2 =	sld [smem:$0x3FAF]  }
0x29: {  	s4 =	sld [smem:$0x3FB1]  }
0x2a: {  	p0 =	seq.s32 s5, $0x0;
	s5 =	sld [smem:$0x3FB2]  }
0x2b: {  	s6 =	sld [smem:$0x3FB3]  }
0x2c: {  	s7 =	sld [smem:$0x3FB4]  }
0x2d: {  	s3 =	simm.s32 $0x108;
	s8 =	sld [smem:$0x3FB5]  }
0x2e: {  	s3 =	simm.s32 @!p0 $0x1082;
	s9 =	sld [smem:$0x3FB6]  }
0x2f: {  	lr =	sadd.s32 s0, s3;
	s0 =	sld [smem:$0x3FAD]  }
0x30: {  	s3 =	sld [smem:$0x3FB0]  }
0x31: {  	[smem:$0x3FB9] =	sst s10  }
0x32: {  	s10 =	sld [smem:$0x3FB7];
	_ =	sdelay $0x3  }
0x33: {  	p0 =	seq.s32 s10, $0x1;
	s10 =	sld [smem:$0x3FB9];
	_ =	sdelay $0x3  }
0x34: {  	[smem:$0x3FB9] =	sst s10  }
0x35: {  	s10 =	sld [smem:$0x3FB8];
	_ =	sdelay $0x3  }
0x36: {  	p1 =	seq.s32 s10, $0x1;
	s10 =	sld [smem:$0x3FB9];
	_ =	sdelay $0x3  }
0x37: {  	[smem:$0x3FB9] =	sst s10  }
0x38: {  	s10 =	sld [smem:$0x3FBA]  }
0x39: {  	_ = 	snop;
	(pc) =	sbr.ind lr, $3  }
0x3a: {  	_ = 	snop  }
0x3b: {  	_ = 	snop  }
0x3c: {  	p2 =	seq.s32 s10, $0x1;
	s10 =	sld [smem:$0x3FB9]  }
0x3d: {  	_ =	shalt  }
0x3e: {  	_ =	shalt  }
0x3f: {  	_ =	shalt  }
0x40: {  	_ =	shalt  }
0x41: {  	_ =	shalt  }
0x42: {  	_ =	shalt  }
0x43: {  	_ =	shalt  }
0x44: {  	_ =	shalt  }
0x45: {  	_ =	shalt  }
0x46: {  	_ =	shalt  }
0x47: {  	_ =	shalt  }
0x48: {  	_ =	shalt  }
0x49: {  	_ =	shalt  }
0x4a: {  	_ =	shalt  }
0x4b: {  	_ =	shalt  }
0x4c: {  	_ =	shalt  }
0x4d: {  	_ =	shalt  }
0x4e: {  	_ =	shalt  }
0x4f: {  	_ =	shalt  }
0x50: {  	_ =	shalt  }
0x51: {  	_ =	shalt  }
0x52: {  	_ =	shalt  }
0x53: {  	_ =	shalt  }
0x54: {  	_ =	shalt  }
0x55: {  	_ =	shalt  }
0x56: {  	_ =	shalt  }
0x57: {  	_ =	shalt  }
0x58: {  	_ =	shalt  }
0x59: {  	_ =	shalt  }
0x5a: {  	_ =	shalt  }
0x5b: {  	_ =	shalt  }
0x5c: {  	_ =	shalt  }
0x5d: {  	_ =	shalt  }
0x5e: {  	_ =	shalt  }
0x5f: {  	_ =	shalt  }
0x60: {  	_ =	shalt  }
0x61: {  	_ =	shalt  }
0x62: {  	_ =	shalt  }
0x63: {  	_ =	shalt  }
0x64: {  	_ =	shalt  }
0x65: {  	_ =	shalt  }
0x66: {  	_ =	shalt  }
0x67: {  	_ =	shalt  }
0x68: {  	_ =	shalt  }
0x69: {  	_ =	shalt  }
0x6a: {  	_ =	shalt  }
0x6b: {  	_ =	shalt  }
0x6c: {  	_ =	shalt  }
0x6d: {  	_ =	shalt  }
0x6e: {  	_ =	shalt  }
0x6f: {  	_ =	shalt  }
0x70: {  	_ =	shalt  }
0x71: {  	_ =	shalt  }
0x72: {  	_ =	shalt  }
0x73: {  	_ =	shalt  }
0x74: {  	_ =	shalt  }
0x75: {  	_ =	shalt  }
0x76: {  	_ =	shalt  }
0x77: {  	_ =	shalt  }
0x78: {  	_ =	shalt  }
0x79: {  	_ =	shalt  }
0x7a: {  	_ =	shalt  }
0x7b: {  	_ =	shalt  }
0x7c: {  	_ =	shalt  }
0x7d: {  	_ =	shalt  }
0x7e: {  	_ =	shalt  }
0x7f: {  	_ =	shalt  }
0x80: {  	_ =	shalt  }
0x81: {  	_ =	shalt  }
0x82: {  	_ =	shalt  }
0x83: {  	_ =	shalt  }
0x84: {  	_ =	shalt  }
0x85: {  	_ =	shalt  }
0x86: {  	_ =	shalt  }
0x87: {  	_ =	shalt  }
.Lfunc_end0:
.L_simem_size_0:
called_computation_lowered:
.L_overlay_start_0:
0x88: {  	s2 =	sld [smem:$0x3FD9]  }
0x89: {  	s3 =	sld [smem:$0x3FFE];
	_ =	sdelay $0x1  }
0x8a: {  	s1 =	srdreg.scid  }
0x8b: {  	s0 =	sand.u32 $0x1, s1  }
0x8c: {  	s17 =	sshll.u32 s0, $0xA;
	s2 =	sadd.s32 s3, s2  }
0x8d: {  	s2 =	sadd.s32 s2, s17  }
0x8e: {  	[smem:$0x3FC5] =	sst s2  }
0x8f: {  	_ = 	snop  }
0x90: {  	s2 =	sld [smem:$0x3FD0];
	(tm) =	ssettm $0x1  }
0x91: {  	s18 =	sld [smem:$0x3FFB];
	_ =	sdelay $0x3  }
0x92: {  	_ =	strace s18  }
0x93: {  	s3 =	sld [smem:$0x3FFC];
	_ =	sdelay $0x3  }
0x94: {  	_ =	strace s3  }
0x95: {  	s3 =	sld [smem:$0x3FFD];
	_ =	sdelay $0x3  }
0x96: {  	_ =	strace s3  }
0x97: {  	_ =	strace $0x8FFFFFFF  }
0x98: {  	s19 =	sld [smem:$0x3FDB];
	_ =	sdelay $0x1  }
0x99: {  	s4 =	simm.s32 $_scs_section_size  }
0x9a: {  	s5 =	simm.s32 $_size__tile_overlayer_lowered;
	s6 =	simm.s32 $_tile_overlayer_lowered  }
0x9b: {  	s22 =	simm.s32 $0x1BFF;
	s21 =	sshll.u32 s6, $0x1;
	s3 =	sadd.s32 s4, s19  }
0x9c: {  	s7 =	simm.s32 $0x0;
	s20 =	sshll.u32 s5, $0x1;
	s5 =	sadd.s32 s21, s3  }
0x9d: {  	[timem:s7], [sflag:s22] =	dma.local [hbm:s5], s20  }
0x9e: {  	_ =	swait.ge [sflag:s22], s20  }
0x9f: {  	s4 =	ssub.s32 $0x0, s20;
	[sflag:s22] =	ssyncset.done $0x0  }
0xa0: {  	[sflag:s22] =	ssyncadd.s32 s4;
	_ =	sdelay $0x1  }
0xa1: {  	s23 =	simm.s32 $0x1B8B  }
0xa2: {  	_ =	swait.ge [sflag:s23], $0x1  }
0xa3: {  	[sflag:s23] =	ssyncset.done $0x0  }
0xa4: {  	s25 =	simm.s32 $0x1B8E;
	s24 =	sld [smem:$0x3FFE];
	[sflag:s23] =	ssyncadd.s32 $0xFFFFFFFF  }
0xa5: {  	s26 =	simm.s32 $execute0_lowered;
	[smem:$0x3FD2] =	sst s25  }
0xa6: {  	s5 =	sshll.u32 s26, $0x1;
	_ =	strace $0x80000046;
	[dreg:$0x1] =	wrdreg $0xFFFFFFFF  }
0xa7: {  	s28 =	simm.s32 $_size_execute0_lowered;
	s3 =	sadd.s32 s3, s5;
	[dreg:$0x0] =	wrdreg $0x0  }
0xa8: {  	s5 =	sshll.u32 s28, $0x1;
	[dreg:$0x2] =	wrdreg s3  }
0xa9: {  	[dreg:$0x3] =	wrdreg s5  }
0xaa: {  	[dreg:$0x4] =	wrdreg $0xC0  }
0xab: {  	_ =	task [dreg:s7], $0x5FFFF  }
0xac: {  	[dreg:$0x1] =	wrdreg $0xFFFFFFFF  }
0xad: {  	[dreg:$0x0] =	wrdreg $0x60  }
0xae: {  	[dreg:$0x2] =	wrdreg s2  }
0xaf: {  	[dreg:$0x3] =	wrdreg s24  }
0xb0: {  	[dreg:$0x4] =	wrdreg $0x9  }
0xb1: {  	_ =	task.clear_ibuf [dreg:s7], $0x5FFFF;
	_ =	strace $0x90000046  }
0xb2: {  	s29 =	simm.s32 $0x9;
	_ =	strace $0x80000048  }
0xb3: {  	_ =	swait.ge [sflag:s29], $0x1  }
0xb4: {  	[sflag:s29] =	ssyncadd.s32 $0xFFFFFFFF  }
0xb5: {  	_ =	strace $0x90000048  }
0xb6: {  	_ =	sfence  }
0xb7: {  	s30 =	sld [smem:$0x0];
	_ =	sdelay $0x2  }
0xb8: {  	s31 =	sshll.u32 s1, $0xD;
	s1 =	sshrl.u32 s1, $0x2  }
0xb9: {  	s3 =	sand.u32 $0x4000, s31;
	s1 =	sadd.s32 s1, s30  }
0xba: {  	s0 =	sor.u32 s3, s0;
	s1 =	sshll.u32 s1, $0x11  }
0xbb: {  	s0 =	sor.u32 s1, s0  }
0xbc: {  	s0 =	sadd.s32 $0x8F2B, s0  }
0xbd: {  	[sflag:s0] =	ssyncadd.remote.s32 $0x1  }
0xbe: {  	_ =	sfence.sel $0xFFFF  }
0xbf: {  	[dreg:$0x0] =	wrdreg $0xFFFFFFFF;
	(pc) =	sbr.abs _section_cstart, $3  }
0xc0: {  	[dreg:$0x1] =	wrdreg $0xFFFFFFFF  }
0xc1: {  	_ =	task.clear_ibuf [dreg:s7], $0x2FFFF;
	_ =	strace $0x9FFFFFFF  }
0xc2: {  	(tm) =	ssettm $0x7FFFFFFF  }
0xc3: {  	_ =	shalt  }
tec
execute0_lowered:
.L_overlay_start_1:
0x0: {  	(tag) =	ssettag $0x1  }
0x1: {  	s7 =	rddreg [dreg:$0x0]  }
0x2: {  	s0 =	rddreg [dreg:$0x1];
	s3 =	simm.s32 $0x0  }
0x3: {  	[smem:$0x7FF] =	sst s3;
	s22 =	sadd.s32 $0x100, s7  }
0x4: {  	s23 =	sadd.s32 $0x200, s7;
	_ =	strace $0x80000047;
	[dreg:$0x7] =	wrdreg s22  }
0x5: {  	s24 =	sadd.s32 $0x300, s7;
	[dreg:$0x8] =	wrdreg s23  }
0x6: {  	s25 =	sadd.s32 $0x400, s7;
	[dreg:$0x9] =	wrdreg s24  }
0x7: {  	s26 =	sadd.s32 $0x500, s7;
	[dreg:$0xa] =	wrdreg s25  }
0x8: {  	s28 =	sadd.s32 $0x600, s7;
	[dreg:$0xb] =	wrdreg s26  }
0x9: {  	s29 =	sadd.s32 $0x700, s7;
	[dreg:$0xc] =	wrdreg s28  }
0xa: {  	s30 =	sadd.s32 $0x800, s7;
	[dreg:$0xd] =	wrdreg s29  }
0xb: {  	s31 =	sadd.s32 $0x900, s7;
	[dreg:$0xe] =	wrdreg s30  }
0xc: {  	s8 =	sadd.s32 $0xB00, s7;
	[dreg:$0xf] =	wrdreg s31  }
0xd: {  	s9 =	sadd.s32 $0xC00, s7;
	[dreg:$0x11] =	wrdreg s8  }
0xe: {  	s10 =	sadd.s32 $0xD00, s7;
	[dreg:$0x12] =	wrdreg s9  }
0xf: {  	s11 =	sadd.s32 $0xE00, s7;
	[dreg:$0x13] =	wrdreg s10  }
0x10: {  	s12 =	sadd.s32 $0xF00, s7;
	[dreg:$0x14] =	wrdreg s11  }
0x11: {  	s14 =	sadd.s32 $0x1000, s7;
	[dreg:$0x15] =	wrdreg s12  }
0x12: {  	s15 =	sadd.s32 $0x1100, s7;
	[dreg:$0x16] =	wrdreg s14  }
0x13: {  	s17 =	sadd.s32 $0x1200, s7;
	[dreg:$0x17] =	wrdreg s15  }
0x14: {  	s18 =	sadd.s32 $0x1300, s7;
	[dreg:$0x18] =	wrdreg s17  }
0x15: {  	s19 =	sadd.s32 $0x1400, s7;
	[dreg:$0x19] =	wrdreg s18  }
0x16: {  	s20 =	sadd.s32 $0x1500, s7;
	[dreg:$0x1a] =	wrdreg s19  }
0x17: {  	s1 =	srdreg.scid;
	[dreg:$0x1b] =	wrdreg s20;
	s22 =	sadd.s32 $0x1700, s7  }
0x18: {  	s2 =	stileid.u32;
	s23 =	sadd.s32 $0x1800, s7;
	[dreg:$0x1d] =	wrdreg s22  }
0x19: {  	s1 =	sand.u32 $0x1, s1;
	s24 =	sadd.s32 $0x1900, s7;
	[dreg:$0x1e] =	wrdreg s23  }
0x1a: {  	s2 =	sshll.u32 s2, $0x5;
	s25 =	sadd.s32 $0x1A00, s7;
	[dreg:$0x1f] =	wrdreg s24  }
0x1b: {  	s21 =	sadd.s32 $0x200, s0;
	s26 =	sadd.s32 $0x1B00, s7;
	[smem:$0x7F8] =	sst s25  }
0x1c: {  	s0 =	sadd.s32 $0x400, s0;
	s28 =	sadd.s32 $0x1C00, s7;
	[smem:$0x7F9] =	sst s26  }
0x1d: {  	s4 =	sshll.u32 s1, $0x4;
	s29 =	sadd.s32 $0x1D00, s7;
	[smem:$0x7FA] =	sst s28  }
0x1e: {  	s1 =	ssub.s32 $0x2, s1;
	s30 =	sadd.s32 $0x1E00, s7;
	[smem:$0x7FB] =	sst s29  }
0x1f: {  	s31 =	sadd.s32 $0x1F00, s7;
	s2 =	sor.u32 s4, s2;
	[smem:$0x7FC] =	sst s30  }
0x20: {  	s6 =	sshrl.u32 s1, $0x1;
	[smem:$0x7FD] =	sst s31;
	s5 =	sshrl.u32 s2, $0x3  }
0x21: {  	s1 =	ssub.s32 s1, s6;
	s6 =	sadd.s32 $0xA00, s7;
	s13 =	sshll.u32 s2, $0xA  }
0x22: {  	s2 =	sor.u32 $0x8, s2;
	s5 =	sadd.s32 s21, s5;
	[dreg:$0x10] =	wrdreg s6  }
0x23: {  	s16 =	sshrl.u32 s2, $0x3;
	[dreg:$0x3] =	wrdreg s5;
	s5 =	sadd.s32 s0, s13  }
0x24: {  	s2 =	sshll.u32 s2, $0xA;
	s4 =	sadd.s32 s21, s16;
	[dreg:$0x4] =	wrdreg s5  }
0x25: {  	v0 =	vlaneseq.u32;
	s0 =	sadd.s32 s0, s2;
	[dreg:$0x5] =	wrdreg s4  }
0x26: {  	v1 =	vshrl.u32 v0, $0x3;
	s21 =	sadd.s32 $0x1600, s7;
	[dreg:$0x6] =	wrdreg s0  }
0x27: {  	vm0 =	vmmov $0xffff;
	v0 =	vand.u32 $0x7, v0;
	v1 =	vmul.u32 $0x8, v1;
	s1 =	smax.u32 s1, $0x1;
	[dreg:$0x1c] =	wrdreg s21;
	s0 =	simm.s32 $0x2  }
.LBB2_1:
0x28: {  	[smem:$0x7F7] =	sst s1  }
0x29: {  	s9 =	rddreg [dreg:$0x3]  }
0x2a: {  	[tilespmem:s3], [sflag:$0x2] =	stream.linear.gather [hbm4b:s9+s3], $0x8, $0x38;
	[tilespmem:$0x10080] =	vst v63  }
0x2b: {  	_ =	swait.ge [sflag:s0], $0x8  }
0x2c: {  	[sflag:s0] =	ssyncset.done $0x0  }
0x2d: {  	[sflag:s0] =	ssyncadd.s32 $0xFFFFFFF8  }
0x2e: {  	v2 =	vld.msk [tilespmem:$0x0], $0xff;
	_ =	sdelay $0x4  }
0x2f: {  	v3 =	vshll.u32 v2, $0x6  }
0x30: {  	v2 =	vand.u32 $0x7, v2;
	v3 =	vand.u32 $0xFFFFFE00, v3  }
0x31: {  	v2 =	vor.u32 v2, v3  }
0x32: {  	v2 =	vperm.xlane v2, v0;
	_ =	sdelay $0x1  }
0x33: {  	v2 =	vadd.s32 v1, v2;
	_ =	sdelay $0x2  }
0x34: {  	s11 =	rddreg [dreg:$0x7]  }
0x35: {  	s19 =	simm.s32 $0x80;
	s18 =	rddreg [dreg:$0x0]  }
0x36: {  	[tilespmem:s19], [sflag:$0x1] =	stream.indirect_vreg.gather [hbm4b:s18+s3], $0x80, v2, vm0, $0xb8;
	[tilespmem:$0x10080] =	vst v63  }
0x37: {  	s20 =	simm.s32 $0x880;
	s12 =	rddreg [dreg:$0x8]  }
0x38: {  	[tilespmem:s20], [sflag:$0x1] =	stream.indirect_vreg.gather [hbm4b:s11+s3], $0x80, v2, vm0, $0xb8;
	[tilespmem:$0x10080] =	vst v63  }
0x39: {  	s21 =	simm.s32 $0x1080;
	s13 =	rddreg [dreg:$0x9]  }
0x3a: {  	[tilespmem:s21], [sflag:$0x1] =	stream.indirect_vreg.gather [hbm4b:s12+s3], $0x80, v2, vm0, $0xb8;
	[tilespmem:$0x10080] =	vst v63  }
0x3b: {  	s22 =	simm.s32 $0x1880;
	s14 =	rddreg [dreg:$0xa]  }
0x3c: {  	[tilespmem:s22], [sflag:$0x1] =	stream.indirect_vreg.gather [hbm4b:s13+s3], $0x80, v2, vm0, $0xb8;
	[tilespmem:$0x10080] =	vst v63  }
0x3d: {  	s23 =	simm.s32 $0x2080;
	s15 =	rddreg [dreg:$0xb]  }
0x3e: {  	[tilespmem:s23], [sflag:$0x1] =	stream.indirect_vreg.gather [hbm4b:s14+s3], $0x80, v2, vm0, $0xb8;
	[tilespmem:$0x10080] =	vst v63  }
0x3f: {  	s24 =	simm.s32 $0x2880;
	s16 =	rddreg [dreg:$0xc]  }
0x40: {  	[tilespmem:s24], [sflag:$0x1] =	stream.indirect_vreg.gather [hbm4b:s15+s3], $0x80, v2, vm0, $0xb8;
	[tilespmem:$0x10080] =	vst v63  }
0x41: {  	s25 =	simm.s32 $0x3080;
	s17 =	rddreg [dreg:$0xd]  }
0x42: {  	[tilespmem:s25], [sflag:$0x1] =	stream.indirect_vreg.gather [hbm4b:s16+s3], $0x80, v2, vm0, $0xb8;
	[tilespmem:$0x10080] =	vst v63  }
0x43: {  	s26 =	simm.s32 $0x3880;
	s18 =	rddreg [dreg:$0xe]  }
0x44: {  	[tilespmem:s26], [sflag:$0x1] =	stream.indirect_vreg.gather [hbm4b:s17+s3], $0x80, v2, vm0, $0xb8;
	[tilespmem:$0x10080] =	vst v63  }
0x45: {  	s28 =	simm.s32 $0x4080;
	s19 =	rddreg [dreg:$0xf]  }
0x46: {  	[tilespmem:s28], [sflag:$0x1] =	stream.indirect_vreg.gather [hbm4b:s18+s3], $0x80, v2, vm0, $0xb8;
	[tilespmem:$0x10080] =	vst v63  }
0x47: {  	s29 =	simm.s32 $0x4880;
	s20 =	rddreg [dreg:$0x10]  }
0x48: {  	[tilespmem:s29], [sflag:$0x1] =	stream.indirect_vreg.gather [hbm4b:s19+s3], $0x80, v2, vm0, $0xb8;
	[tilespmem:$0x10080] =	vst v63  }
0x49: {  	s30 =	simm.s32 $0x5080;
	s21 =	rddreg [dreg:$0x11]  }
0x4a: {  	[tilespmem:s30], [sflag:$0x1] =	stream.indirect_vreg.gather [hbm4b:s20+s3], $0x80, v2, vm0, $0xb8;
	[tilespmem:$0x10080] =	vst v63  }
0x4b: {  	s31 =	simm.s32 $0x5880;
	s22 =	rddreg [dreg:$0x12]  }
0x4c: {  	[tilespmem:s31], [sflag:$0x1] =	stream.indirect_vreg.gather [hbm4b:s21+s3], $0x80, v2, vm0, $0xb8;
	[tilespmem:$0x10080] =	vst v63  }
0x4d: {  	s2 =	simm.s32 $0x6080;
	s23 =	rddreg [dreg:$0x13]  }
0x4e: {  	[tilespmem:s2], [sflag:$0x1] =	stream.indirect_vreg.gather [hbm4b:s22+s3], $0x80, v2, vm0, $0xb8;
	[tilespmem:$0x10080] =	vst v63  }
0x4f: {  	s4 =	simm.s32 $0x6880;
	s24 =	rddreg [dreg:$0x14]  }
0x50: {  	[tilespmem:s4], [sflag:$0x1] =	stream.indirect_vreg.gather [hbm4b:s23+s3], $0x80, v2, vm0, $0xb8;
	[tilespmem:$0x10080] =	vst v63  }
0x51: {  	s5 =	simm.s32 $0x7080;
	s25 =	rddreg [dreg:$0x1a]  }
0x52: {  	[tilespmem:s5], [sflag:$0x1] =	stream.indirect_vreg.gather [hbm4b:s24+s3], $0x80, v2, vm0, $0xb8;
	[tilespmem:$0x10080] =	vst v63  }
0x53: {  	s6 =	simm.s32 $0x7880;
	s26 =	rddreg [dreg:$0x15]  }
0x54: {  	[tilespmem:s6], [sflag:$0x1] =	stream.indirect_vreg.gather [hbm4b:s26+s3], $0x80, v2, vm0, $0xb8;
	[tilespmem:$0x10080] =	vst v63  }
0x55: {  	s7 =	simm.s32 $0x8080;
	s28 =	rddreg [dreg:$0x16]  }
0x56: {  	[tilespmem:s7], [sflag:$0x1] =	stream.indirect_vreg.gather [hbm4b:s28+s3], $0x80, v2, vm0, $0xb8;
	[tilespmem:$0x10080] =	vst v63  }
0x57: {  	s8 =	simm.s32 $0x8880;
	s29 =	rddreg [dreg:$0x17]  }
0x58: {  	[tilespmem:s8], [sflag:$0x1] =	stream.indirect_vreg.gather [hbm4b:s29+s3], $0x80, v2, vm0, $0xb8;
	[tilespmem:$0x10080] =	vst v63  }
0x59: {  	s9 =	simm.s32 $0x9080;
	s30 =	rddreg [dreg:$0x18]  }
0x5a: {  	[tilespmem:s9], [sflag:$0x1] =	stream.indirect_vreg.gather [hbm4b:s30+s3], $0x80, v2, vm0, $0xb8;
	[tilespmem:$0x10080] =	vst v63  }
0x5b: {  	s10 =	simm.s32 $0x9880;
	s31 =	rddreg [dreg:$0x19]  }
0x5c: {  	[tilespmem:s10], [sflag:$0x1] =	stream.indirect_vreg.gather [hbm4b:s31+s3], $0x80, v2, vm0, $0xb8;
	[tilespmem:$0x10080] =	vst v63  }
0x5d: {  	s2 =	simm.s32 $0xA080;
	s5 =	rddreg [dreg:$0x1c]  }
0x5e: {  	[tilespmem:s2], [sflag:$0x1] =	stream.indirect_vreg.gather [hbm4b:s25+s3], $0x80, v2, vm0, $0xb8;
	[tilespmem:$0x10080] =	vst v63  }
0x5f: {  	s4 =	simm.s32 $0xA880;
	s2 =	rddreg [dreg:$0x1b]  }
0x60: {  	[tilespmem:s4], [sflag:$0x1] =	stream.indirect_vreg.gather [hbm4b:s2+s3], $0x80, v2, vm0, $0xb8;
	[tilespmem:$0x10080] =	vst v63  }
0x61: {  	s6 =	simm.s32 $0xB080;
	s4 =	rddreg [dreg:$0x1d]  }
0x62: {  	[tilespmem:s6], [sflag:$0x1] =	stream.indirect_vreg.gather [hbm4b:s5+s3], $0x80, v2, vm0, $0xb8;
	[tilespmem:$0x10080] =	vst v63  }
0x63: {  	s7 =	simm.s32 $0xB880;
	s5 =	rddreg [dreg:$0x1e]  }
0x64: {  	[tilespmem:s7], [sflag:$0x1] =	stream.indirect_vreg.gather [hbm4b:s4+s3], $0x80, v2, vm0, $0xb8;
	[tilespmem:$0x10080] =	vst v63  }
0x65: {  	s8 =	simm.s32 $0xC080;
	s7 =	rddreg [dreg:$0x1f]  }
0x66: {  	[tilespmem:s8], [sflag:$0x1] =	stream.indirect_vreg.gather [hbm4b:s5+s3], $0x80, v2, vm0, $0xb8;
	[tilespmem:$0x10080] =	vst v63  }
0x67: {  	s9 =	simm.s32 $0xC880;
	s8 =	sld [smem:$0x7F8]  }
0x68: {  	[tilespmem:s9], [sflag:$0x1] =	stream.indirect_vreg.gather [hbm4b:s7+s3], $0x80, v2, vm0, $0xb8;
	[tilespmem:$0x10080] =	vst v63  }
0x69: {  	s10 =	simm.s32 $0xD080  }
0x6a: {  	[tilespmem:s10], [sflag:$0x1] =	stream.indirect_vreg.gather [hbm4b:s8+s3], $0x80, v2, vm0, $0xb8;
	[tilespmem:$0x10080] =	vst v63  }
0x6b: {  	s10 =	sld [smem:$0x7F9];
	_ =	sdelay $0x1  }
0x6c: {  	s25 =	simm.s32 $0xD880;
	s6 =	sld [smem:$0x7FA]  }
0x6d: {  	[tilespmem:s25], [sflag:$0x1] =	stream.indirect_vreg.gather [hbm4b:s10+s3], $0x80, v2, vm0, $0xb8;
	[tilespmem:$0x10080] =	vst v63  }
0x6e: {  	s2 =	simm.s32 $0xE080;
	s25 =	sld [smem:$0x7FB]  }
0x6f: {  	[tilespmem:s2], [sflag:$0x1] =	stream.indirect_vreg.gather [hbm4b:s6+s3], $0x80, v2, vm0, $0xb8;
	[tilespmem:$0x10080] =	vst v63  }
0x70: {  	s1 =	sld [smem:$0x7FC];
	s9 =	simm.s32 $0xE880  }
0x71: {  	[tilespmem:s9], [sflag:$0x1] =	stream.indirect_vreg.gather [hbm4b:s25+s3], $0x80, v2, vm0, $0xb8;
	[tilespmem:$0x10080] =	vst v63  }
0x72: {  	s9 =	simm.s32 $0xF080  }
0x73: {  	[tilespmem:s9], [sflag:$0x1] =	stream.indirect_vreg.gather [hbm4b:s1+s3], $0x80, v2, vm0, $0xb8;
	[tilespmem:$0x10080] =	vst v63  }
0x74: {  	s1 =	sld [smem:$0x7FD];
	_ =	sdelay $0x1  }
0x75: {  	s2 =	simm.s32 $0x1;
	s9 =	simm.s32 $0xF880  }
0x76: {  	[tilespmem:s9], [sflag:$0x1] =	stream.indirect_vreg.gather [hbm4b:s1+s3], $0x80, v2, vm0, $0xb8;
	[tilespmem:$0x10080] =	vst v63  }
0x77: {  	_ =	swait.ge [sflag:s2], $0x10000  }
0x78: {  	[sflag:s2] =	ssyncset.done $0x0  }
0x79: {  	s1 =	simm.s32 $0x80;
	s9 =	rddreg [dreg:$0x4];
	[sflag:s2] =	ssyncadd.s32 $0xFFFF0000  }
0x7a: {  	[hbm4b:s9+s3] =	stream.linear.scatter [tilespmem:s1], [sflag:$0x2], $0x10000, $0x38;
	[tilespmem:$0x10080] =	vst v63  }
0x7b: {  	_ =	swait.ge [sflag:s0], $0x10000  }
0x7c: {  	[sflag:s0] =	ssyncset.done $0x0  }
0x7d: {  	s1 =	rddreg [dreg:$0x5];
	[sflag:s0] =	ssyncadd.s32 $0xFFFF0000  }
0x7e: {  	[tilespmem:s3], [sflag:$0x2] =	stream.linear.gather [hbm4b:s1+s3], $0x8, $0x38;
	[tilespmem:$0x10080] =	vst v63  }
0x7f: {  	_ =	swait.ge [sflag:s0], $0x8  }
0x80: {  	[sflag:s0] =	ssyncset.done $0x0  }
0x81: {  	[sflag:s0] =	ssyncadd.s32 $0xFFFFFFF8  }
0x82: {  	v2 =	vld.msk [tilespmem:$0x0], $0xff;
	_ =	sdelay $0x4  }
0x83: {  	v3 =	vshll.u32 v2, $0x6  }
0x84: {  	v2 =	vand.u32 $0x7, v2;
	v3 =	vand.u32 $0xFFFFFE00, v3  }
0x85: {  	v2 =	vor.u32 v2, v3  }
0x86: {  	v2 =	vperm.xlane v2, v0;
	_ =	sdelay $0x1  }
0x87: {  	v2 =	vadd.s32 v1, v2;
	_ =	sdelay $0x3  }
0x88: {  	s9 =	simm.s32 $0x80;
	s1 =	rddreg [dreg:$0x0]  }
0x89: {  	[tilespmem:s9], [sflag:$0x1] =	stream.indirect_vreg.gather [hbm4b:s1+s3], $0x80, v2, vm0, $0xb8;
	[tilespmem:$0x10080] =	vst v63  }
0x8a: {  	s9 =	simm.s32 $0x880  }
0x8b: {  	[tilespmem:s9], [sflag:$0x1] =	stream.indirect_vreg.gather [hbm4b:s11+s3], $0x80, v2, vm0, $0xb8;
	[tilespmem:$0x10080] =	vst v63  }
0x8c: {  	s11 =	simm.s32 $0x1080  }
0x8d: {  	[tilespmem:s11], [sflag:$0x1] =	stream.indirect_vreg.gather [hbm4b:s12+s3], $0x80, v2, vm0, $0xb8;
	[tilespmem:$0x10080] =	vst v63  }
0x8e: {  	s12 =	simm.s32 $0x1880  }
0x8f: {  	[tilespmem:s12], [sflag:$0x1] =	stream.indirect_vreg.gather [hbm4b:s13+s3], $0x80, v2, vm0, $0xb8;
	[tilespmem:$0x10080] =	vst v63  }
0x90: {  	s13 =	simm.s32 $0x2080  }
0x91: {  	[tilespmem:s13], [sflag:$0x1] =	stream.indirect_vreg.gather [hbm4b:s14+s3], $0x80, v2, vm0, $0xb8;
	[tilespmem:$0x10080] =	vst v63  }
0x92: {  	s14 =	simm.s32 $0x2880  }
0x93: {  	[tilespmem:s14], [sflag:$0x1] =	stream.indirect_vreg.gather [hbm4b:s15+s3], $0x80, v2, vm0, $0xb8;
	[tilespmem:$0x10080] =	vst v63  }
0x94: {  	s15 =	simm.s32 $0x3080  }
0x95: {  	[tilespmem:s15], [sflag:$0x1] =	stream.indirect_vreg.gather [hbm4b:s16+s3], $0x80, v2, vm0, $0xb8;
	[tilespmem:$0x10080] =	vst v63  }
0x96: {  	s16 =	simm.s32 $0x3880  }
0x97: {  	[tilespmem:s16], [sflag:$0x1] =	stream.indirect_vreg.gather [hbm4b:s17+s3], $0x80, v2, vm0, $0xb8;
	[tilespmem:$0x10080] =	vst v63  }
0x98: {  	s17 =	simm.s32 $0x4080  }
0x99: {  	[tilespmem:s17], [sflag:$0x1] =	stream.indirect_vreg.gather [hbm4b:s18+s3], $0x80, v2, vm0, $0xb8;
	[tilespmem:$0x10080] =	vst v63  }
0x9a: {  	s18 =	simm.s32 $0x4880  }
0x9b: {  	[tilespmem:s18], [sflag:$0x1] =	stream.indirect_vreg.gather [hbm4b:s19+s3], $0x80, v2, vm0, $0xb8;
	[tilespmem:$0x10080] =	vst v63  }
0x9c: {  	s19 =	simm.s32 $0x5080  }
0x9d: {  	[tilespmem:s19], [sflag:$0x1] =	stream.indirect_vreg.gather [hbm4b:s20+s3], $0x80, v2, vm0, $0xb8;
	[tilespmem:$0x10080] =	vst v63  }
0x9e: {  	s20 =	simm.s32 $0x5880  }
0x9f: {  	[tilespmem:s20], [sflag:$0x1] =	stream.indirect_vreg.gather [hbm4b:s21+s3], $0x80, v2, vm0, $0xb8;
	[tilespmem:$0x10080] =	vst v63  }
0xa0: {  	s21 =	simm.s32 $0x6080  }
0xa1: {  	[tilespmem:s21], [sflag:$0x1] =	stream.indirect_vreg.gather [hbm4b:s22+s3], $0x80, v2, vm0, $0xb8;
	[tilespmem:$0x10080] =	vst v63  }
0xa2: {  	s22 =	simm.s32 $0x6880  }
0xa3: {  	[tilespmem:s22], [sflag:$0x1] =	stream.indirect_vreg.gather [hbm4b:s23+s3], $0x80, v2, vm0, $0xb8;
	[tilespmem:$0x10080] =	vst v63  }
0xa4: {  	s23 =	simm.s32 $0x7080  }
0xa5: {  	[tilespmem:s23], [sflag:$0x1] =	stream.indirect_vreg.gather [hbm4b:s24+s3], $0x80, v2, vm0, $0xb8;
	[tilespmem:$0x10080] =	vst v63  }
0xa6: {  	s24 =	simm.s32 $0x7880  }
0xa7: {  	[tilespmem:s24], [sflag:$0x1] =	stream.indirect_vreg.gather [hbm4b:s26+s3], $0x80, v2, vm0, $0xb8;
	[tilespmem:$0x10080] =	vst v63  }
0xa8: {  	s26 =	simm.s32 $0x8080  }
0xa9: {  	[tilespmem:s26], [sflag:$0x1] =	stream.indirect_vreg.gather [hbm4b:s28+s3], $0x80, v2, vm0, $0xb8;
	[tilespmem:$0x10080] =	vst v63  }
0xaa: {  	s28 =	simm.s32 $0x8880  }
0xab: {  	[tilespmem:s28], [sflag:$0x1] =	stream.indirect_vreg.gather [hbm4b:s29+s3], $0x80, v2, vm0, $0xb8;
	[tilespmem:$0x10080] =	vst v63  }
0xac: {  	s29 =	simm.s32 $0x9080  }
0xad: {  	[tilespmem:s29], [sflag:$0x1] =	stream.indirect_vreg.gather [hbm4b:s30+s3], $0x80, v2, vm0, $0xb8;
	[tilespmem:$0x10080] =	vst v63  }
0xae: {  	s9 =	simm.s32 $0x9880  }
0xaf: {  	[tilespmem:s9], [sflag:$0x1] =	stream.indirect_vreg.gather [hbm4b:s31+s3], $0x80, v2, vm0, $0xb8;
	[tilespmem:$0x10080] =	vst v63  }
0xb0: {  	s11 =	rddreg [dreg:$0x1a];
	s12 =	simm.s32 $0xA080  }
0xb1: {  	[tilespmem:s12], [sflag:$0x1] =	stream.indirect_vreg.gather [hbm4b:s11+s3], $0x80, v2, vm0, $0xb8;
	[tilespmem:$0x10080] =	vst v63  }
0xb2: {  	s13 =	rddreg [dreg:$0x1b];
	s14 =	simm.s32 $0xA880  }
0xb3: {  	[tilespmem:s14], [sflag:$0x1] =	stream.indirect_vreg.gather [hbm4b:s13+s3], $0x80, v2, vm0, $0xb8;
	[tilespmem:$0x10080] =	vst v63  }
0xb4: {  	s15 =	rddreg [dreg:$0x1c];
	s16 =	simm.s32 $0xB080  }
0xb5: {  	[tilespmem:s16], [sflag:$0x1] =	stream.indirect_vreg.gather [hbm4b:s15+s3], $0x80, v2, vm0, $0xb8;
	[tilespmem:$0x10080] =	vst v63  }
0xb6: {  	s18 =	simm.s32 $0xB880  }
0xb7: {  	[tilespmem:s18], [sflag:$0x1] =	stream.indirect_vreg.gather [hbm4b:s4+s3], $0x80, v2, vm0, $0xb8;
	[tilespmem:$0x10080] =	vst v63  }
0xb8: {  	s19 =	simm.s32 $0xC080  }
0xb9: {  	[tilespmem:s19], [sflag:$0x1] =	stream.indirect_vreg.gather [hbm4b:s5+s3], $0x80, v2, vm0, $0xb8;
	[tilespmem:$0x10080] =	vst v63  }
0xba: {  	s20 =	simm.s32 $0xC880  }
0xbb: {  	[tilespmem:s20], [sflag:$0x1] =	stream.indirect_vreg.gather [hbm4b:s7+s3], $0x80, v2, vm0, $0xb8;
	[tilespmem:$0x10080] =	vst v63  }
0xbc: {  	s21 =	simm.s32 $0xD080  }
0xbd: {  	[tilespmem:s21], [sflag:$0x1] =	stream.indirect_vreg.gather [hbm4b:s8+s3], $0x80, v2, vm0, $0xb8;
	[tilespmem:$0x10080] =	vst v63  }
0xbe: {  	s22 =	simm.s32 $0xD880  }
0xbf: {  	[tilespmem:s22], [sflag:$0x1] =	stream.indirect_vreg.gather [hbm4b:s10+s3], $0x80, v2, vm0, $0xb8;
	[tilespmem:$0x10080] =	vst v63  }
0xc0: {  	s23 =	simm.s32 $0xE080  }
0xc1: {  	[tilespmem:s23], [sflag:$0x1] =	stream.indirect_vreg.gather [hbm4b:s6+s3], $0x80, v2, vm0, $0xb8;
	[tilespmem:$0x10080] =	vst v63  }
0xc2: {  	s24 =	simm.s32 $0xE880;
	s26 =	sld [smem:$0x7FC]  }
0xc3: {  	[tilespmem:s24], [sflag:$0x1] =	stream.indirect_vreg.gather [hbm4b:s25+s3], $0x80, v2, vm0, $0xb8;
	[tilespmem:$0x10080] =	vst v63  }
0xc4: {  	s29 =	sld [smem:$0x7FD];
	s25 =	simm.s32 $0xF080  }
0xc5: {  	[tilespmem:s25], [sflag:$0x1] =	stream.indirect_vreg.gather [hbm4b:s26+s3], $0x80, v2, vm0, $0xb8;
	[tilespmem:$0x10080] =	vst v63  }
0xc6: {  	s17 =	sld [smem:$0x7F7];
	s28 =	simm.s32 $0xF880  }
0xc7: {  	[tilespmem:s28], [sflag:$0x1] =	stream.indirect_vreg.gather [hbm4b:s29+s3], $0x80, v2, vm0, $0xb8;
	[tilespmem:$0x10080] =	vst v63  }
0xc8: {  	_ =	swait.ge [sflag:s2], $0x10000  }
0xc9: {  	p0 =	sne.s32 s17, $0x1;
	s31 =	simm.s32 $0x80;
	[sflag:s2] =	ssyncset.done $0x0  }
.Ltmp0:
0xca: {  	s30 =	rddreg [dreg:$0x6];
	[sflag:s2] =	ssyncadd.s32 $0xFFFF0000;
	(pc) =	sbr.rel @p0 .LBB2_1-.Ltmp0, $4  }
0xcb: {  	[hbm4b:s30+s3] =	stream.linear.scatter [tilespmem:s31], [sflag:$0x2], $0x10000, $0x38;
	[tilespmem:$0x10080] =	vst v63  }
0xcc: {  	_ =	swait.ge [sflag:s0], $0x10000  }
0xcd: {  	[sflag:s0] =	ssyncset.done $0x0  }
0xce: {  	s1 =	sadd.s32 $0xFFFFFFFF, s17;
	[sflag:s0] =	ssyncadd.s32 $0xFFFF0000  }
0xcf: {  	_ =	sfence.sel $0x180000  }
0xd0: {  	[bflag:$0x0] =	sbarrier.arrive $0xFFFF  }
0xd1: {  	_ =	strace $0x90000047  }
0xd2: {  	s0 =	stileid.u32;
	[bflag:$0x2] =	sbarrier.arrive $0xFFFF  }
0xd3: {  	p0 =	sne.s32 s0, $0x0;
	s0 =	rddreg [dreg:$0x2]  }
0xd4: {  	s0 =	sadd.s32 @!p0 $0x100000, s0  }
0xd5: {  	[sflag:s0] =	ssyncadd.tile.s32 @!p0 $0x1;
	_ =	shalt  }
.Lfunc_end2:
_tile_overlayer_lowered:
.L_overlay_start_2:
0xd6: {  	(tag) =	ssettag $0x2  }
0xd7: {  	s0 =	rddreg [dreg:$0x0];
	s2 =	stileid.u32  }
0xd8: {  	s1 =	rddreg [dreg:$0x1];
	p0 =	sne.s32 s2, $0x0  }
0xd9: {  	s3 =	rddreg [dreg:$0x2];
	[bflag:$0x3] =	sbarrier.arrive $0xFFFF;
	s2 =	simm.s32 @!p0 $0x1C02  }
0xda: {  	[timem:s3], [sflag:s2] =	dma.local @!p0 [hbm:s0], s1  }
0xdb: {  	s0 =	simm.s32 @!p0 $0x2  }
0xdc: {  	_ =	swait.ge @!p0 [sflag:s0], s1  }
0xdd: {  	s1 =	ssub.s32 @!p0 $0x0, s1;
	[sflag:s0] =	ssyncset.done @!p0 $0x0  }
0xde: {  	[sflag:s0] =	ssyncadd.s32 @!p0 s1  }
0xdf: {  	[bflag:$0x3] =	sbarrier.arrive $0xFFFF  }
0xe0: {  	_ =	shalt  }

</sc_bundles>
